<compile_context>
chip_gen: v7x
topology: tpu7x:2x2x1
jax: 0.10.2.dev20260603
libtpu: 0.0.44.dev20260713+nightly
codegen_flags: <defaults>
</compile_context>

<pallas_src>
import jax
import jax.numpy as jnp
from jax import lax
from jax.experimental import pallas as pl
from jax.experimental.pallas import tpu as pltpu
from jax.experimental.pallas import tpu_sc as plsc

_HIDDEN = 1024
_ROWS = 4096
_NC, _NS, _LANES = 2, 16, 16
_NW = _NC * _NS
_CHUNK = 16
_NBUF = 3
_K_SC = 512
_RB = 512


def _sc_body(feat_hbm, idx_hbm, table_hbm, out_hbm, idx_v, table_sh, table_v,
             fv0, fv1, fv2, sf0, sf1, sf2, so0, so1, so2):
    rpw = _K_SC // _NW
    nchunk = rpw // _CHUNK
    fbufs = (fv0, fv1, fv2)
    sf = (sf0, sf1, sf2)
    so = (so0, so1, so2)
    c_ax = lax.axis_index("c")
    s_ax = lax.axis_index("s")
    wid = s_ax * _NC + c_ax
    base = wid * rpw

    nfr = 64
    pltpu.sync_copy(idx_hbm.at[base // nfr, pl.ds(base % nfr, rpw)], idx_v)

    @pl.when(s_ax == 0)
    def _():
        pltpu.sync_copy(table_hbm, table_sh)
    plsc.subcore_barrier()
    pltpu.sync_copy(table_sh, table_v)

    def start_in(c, b):
        return pltpu.async_copy(
            feat_hbm.at[pl.ds(base + c * _CHUNK, _CHUNK)], fbufs[b], sf[b])

    def start_out(c, b):
        return pltpu.async_copy(
            fbufs[b], out_hbm.at[pl.ds(base + c * _CHUNK, _CHUNK)], so[b])

    in_cp = [start_in(c, c) for c in range(min(_NBUF, nchunk))]
    out_cp = [None] * _NBUF

    def compute(c, b):
        fv = fbufs[b]
        iv = idx_v[pl.ds(c * _CHUNK, _CHUNK)]
        for r0 in range(0, _CHUNK, 4):
            ridx = [iv[r0 + rr] for rr in range(4)]

            @plsc.parallel_loop(0, _HIDDEN // _LANES, unroll=4)
            def _(j, r0=r0, ridx=ridx):
                sl = pl.ds(j * _LANES, _LANES)
                for rr in range(4):
                    plsc.addupdate(fv.at[r0 + rr, sl],
                                   table_v[ridx[rr], sl])

    for c in range(nchunk):
        b = c % _NBUF
        if c >= 1 and c + 2 < nchunk:
            pb = (c + 2) % _NBUF
            out_cp[pb].wait()
            in_cp[pb] = start_in(c + 2, pb)
        in_cp[b].wait()
        compute(c, b)
        out_cp[b] = start_out(c, b)
    for b in range(min(_NBUF, nchunk)):
        out_cp[b].wait()


def _sc_call(feat2, idx, table):
    mesh = plsc.VectorSubcoreMesh(core_axis_name="c", subcore_axis_name="s")
    return pl.kernel(
        _sc_body,
        out_type=jax.ShapeDtypeStruct((_K_SC, _HIDDEN), jnp.float32),
        mesh=mesh,
        compiler_params=pltpu.CompilerParams(needs_layout_passes=False),
        scratch_types=[
            pltpu.VMEM((_K_SC // _NW,), jnp.int32),
            pltpu.VMEM_SHARED((64, _HIDDEN), jnp.float32),
            pltpu.VMEM((64, _HIDDEN), jnp.float32),
            pltpu.VMEM((_CHUNK, _HIDDEN), jnp.float32),
            pltpu.VMEM((_CHUNK, _HIDDEN), jnp.float32),
            pltpu.VMEM((_CHUNK, _HIDDEN), jnp.float32),
            pltpu.SemaphoreType.DMA,
            pltpu.SemaphoreType.DMA,
            pltpu.SemaphoreType.DMA,
            pltpu.SemaphoreType.DMA,
            pltpu.SemaphoreType.DMA,
            pltpu.SemaphoreType.DMA,
        ],
    )(feat2, idx, table)


def _tc_body(idx_ref, feat_ref, table_ref, out_ref):
    tab = table_ref[...]
    for u in range(_RB // 64):
        iv = idx_ref[u, :]
        oh = (iv[:, None] == lax.broadcasted_iota(jnp.int32, (1, 64), 1)
              ).astype(jnp.float32)
        sl = pl.ds(u * 64, 64)
        out_ref[sl, :] = feat_ref[sl, :] + jnp.dot(
            oh, tab, preferred_element_type=jnp.float32)


def _tc_call(feat2, idx2d, table):
    n_tc = _ROWS - _K_SC
    k_blocks = _K_SC // _RB
    irows = _RB // 64
    return pl.pallas_call(
        _tc_body,
        grid=(n_tc // _RB,),
        in_specs=[
            pl.BlockSpec((irows, 64), lambda i: (k_blocks + i, 0)),
            pl.BlockSpec((_RB, _HIDDEN), lambda i: (k_blocks + i, 0)),
            pl.BlockSpec((64, _HIDDEN), lambda i: (0, 0)),
        ],
        out_specs=pl.BlockSpec((_RB, _HIDDEN), lambda i: (k_blocks + i, 0)),
        out_shape=jax.ShapeDtypeStruct((_ROWS, _HIDDEN), jnp.float32),
    )(idx2d, feat2, table)


def kernel(features, frame_positions, temporal_pos_embedding_weight):
    b, f, h = features.shape
    feat2 = features.reshape(b * f, h)
    table = temporal_pos_embedding_weight
    if _K_SC == 0:
        out = _tc_call(feat2, frame_positions, table)
    elif _K_SC == _ROWS:
        out = _sc_call(feat2, frame_positions, table)
    else:
        sc_out = _sc_call(feat2, frame_positions, table)
        tc_out = _tc_call(feat2, frame_positions, table)
        out = lax.dynamic_update_slice(tc_out, sc_out, (0, 0))
    return out.reshape(b, f, h)

# --- scband reference (transcript-rebuilt; emitter-appended) ---
"""Pipeline reference for scband-pooled-temporal-positional-encoding-16930761080984 (READ-ONLY COPY).

The authoritative reference and input builder live on the scoring server;
editing this copy changes nothing except your own understanding.
"""

import jax, jax.numpy as jnp
import numpy as np
import math

HIDDEN_DIM = 1024
MAX_FRAMES = 64
BATCH = 64
FRAMES = 64


def _sinusoidal_table(max_frames, hidden_dim):
    position = np.arange(0, max_frames, dtype=np.float32)[:, None]
    div_term = np.exp(np.arange(0, hidden_dim, 2, dtype=np.float32) * -(math.log(10000.0) / hidden_dim))
    table = np.zeros((max_frames, hidden_dim), dtype=np.float32)
    table[:, 0::2] = np.sin(position * div_term)
    table[:, 1::2] = np.cos(position * div_term)
    return jnp.asarray(table)


def setup_inputs(seed: int = 0) -> dict:
    key = jax.random.key(seed)
    k1, k2 = jax.random.split(key)
    features = jax.random.normal(k1, (BATCH, FRAMES, HIDDEN_DIM), dtype=jnp.float32)
    frame_positions = jax.random.randint(k2, (BATCH, FRAMES), 0, MAX_FRAMES, dtype=jnp.int32)
    temporal_pos_embedding_weight = _sinusoidal_table(MAX_FRAMES, HIDDEN_DIM)
    return {
        "features": features,
        "frame_positions": frame_positions,
        "temporal_pos_embedding_weight": temporal_pos_embedding_weight,
    }


def reference(features, frame_positions, temporal_pos_embedding_weight):
    # nn.Embedding lookup -> row gather from the table
    temporal_emb = jnp.take(temporal_pos_embedding_weight, frame_positions, axis=0)
    encoded_features = features + temporal_emb
    return encoded_features

if __name__ == "__main__":
    import jax
    _d = setup_inputs()
    print(jax.jit(kernel)(*tuple(_d.values())))

</pallas_src>

<mosaic_0001>
#map = affine_map<(d0, d1) -> (0, 0)>
module attributes {stable_mosaic.version = 14 : i64} {
  func.func @_sc_body(%arg0: i32, %arg1: i32, %arg2: memref<4096x1024xf32, #tpu.memory_space<hbm>>, %arg3: memref<64x64xi32, #tpu.memory_space<hbm>>, %arg4: memref<64x1024xf32, #tpu.memory_space<hbm>>, %arg5: memref<512x1024xf32, #tpu.memory_space<hbm>>, %arg6: memref<16xi32, #tpu.memory_space<vmem>>, %arg7: memref<64x1024xf32, #tpu.memory_space<vmem_shared>>, %arg8: memref<64x1024xf32, #tpu.memory_space<vmem>>, %arg9: memref<16x1024xf32, #tpu.memory_space<vmem>>, %arg10: memref<16x1024xf32, #tpu.memory_space<vmem>>, %arg11: memref<16x1024xf32, #tpu.memory_space<vmem>>, %arg12: memref<!tpu.dma_semaphore, #tpu.memory_space<semaphore_mem>>, %arg13: memref<!tpu.dma_semaphore, #tpu.memory_space<semaphore_mem>>, %arg14: memref<!tpu.dma_semaphore, #tpu.memory_space<semaphore_mem>>, %arg15: memref<!tpu.dma_semaphore, #tpu.memory_space<semaphore_mem>>, %arg16: memref<!tpu.dma_semaphore, #tpu.memory_space<semaphore_mem>>, %arg17: memref<!tpu.dma_semaphore, #tpu.memory_space<semaphore_mem>>) attributes {dimension_semantics = [#tpu.dimension_semantics<core_parallel>, #tpu.dimension_semantics<subcore_parallel>], iteration_bounds = array<i64: 2, 16>, scalar_prefetch = 0 : i64, scratch_operands = 12 : i64, tpu.core_type = #tpu.core_type<sc_vector_subcore>, window_params = [{transform_indices = #map}, {transform_indices = #map}, {transform_indices = #map}, {transform_indices = #map}]} {
    %mul3A = arith.constant 2 : i32
    %mul3A_0 = arith.muli %arg1, %mul3A : i32
    %add3A = arith.addi %mul3A_0, %arg0 : i32
    %mul3A_1 = arith.constant 16 : i32
    %mul3A_2 = arith.muli %add3A, %mul3A_1 : i32
    %jit3A = arith.constant 64 : i32
    %div3A = arith.divsi %mul3A_2, %jit3A : i32
    %sign3A = arith.constant 0 : i32
    %sign3A_3 = arith.cmpi sgt, %mul3A_2, %sign3A : i32
    %sign3A_4 = arith.extui %sign3A_3 : i1 to i32
    %sign3A_5 = arith.constant 0 : i32
    %sign3A_6 = arith.cmpi slt, %mul3A_2, %sign3A_5 : i32
    %sign3A_7 = arith.extui %sign3A_6 : i1 to i32
    %sign3A_8 = arith.subi %sign3A_4, %sign3A_7 : i32
    %sign3A_9 = arith.constant 0 : i32
    %sign3A_10 = arith.cmpi sgt, %jit3A, %sign3A_9 : i32
    %sign3A_11 = arith.extui %sign3A_10 : i1 to i32
    %sign3A_12 = arith.constant 0 : i32
    %sign3A_13 = arith.cmpi slt, %jit3A, %sign3A_12 : i32
    %sign3A_14 = arith.extui %sign3A_13 : i1 to i32
    %sign3A_15 = arith.subi %sign3A_11, %sign3A_14 : i32
    %ne3A = arith.cmpi ne, %sign3A_8, %sign3A_15 : i32
    %rem3A = arith.remsi %mul3A_2, %jit3A : i32
    %ne3A_16 = arith.constant 0 : i32
    %ne3A_17 = arith.cmpi ne, %rem3A, %ne3A_16 : i32
    %and3A = arith.andi %ne3A, %ne3A_17 : i1
    %sub3A = arith.constant 1 : i32
    %sub3A_18 = arith.subi %div3A, %sub3A : i32
    %select_n3A = arith.select %and3A, %sub3A_18, %div3A : i32
    %jit3A_19 = arith.constant 64 : i32
    %eq3A = arith.constant 0 : i32
    %eq3A_20 = arith.cmpi eq, %jit3A_19, %eq3A : i32
    %jit3A_21 = arith.constant 1 : i32
    %select_n3A_22 = arith.select %eq3A_20, %jit3A_21, %jit3A_19 : i32
    %rem3A_23 = arith.remsi %mul3A_2, %select_n3A_22 : i32
    %ne3A_24 = arith.constant 0 : i32
    %ne3A_25 = arith.cmpi ne, %rem3A_23, %ne3A_24 : i32
    %lt3A = arith.constant 0 : i32
    %lt3A_26 = arith.cmpi slt, %rem3A_23, %lt3A : i32
    %lt3A_27 = arith.constant 0 : i32
    %lt3A_28 = arith.cmpi slt, %select_n3A_22, %lt3A_27 : i32
    %ne3A_29 = arith.xori %lt3A_26, %lt3A_28 : i1
    %and3A_30 = arith.andi %ne3A_29, %ne3A_25 : i1
    %add3A_31 = arith.addi %rem3A_23, %select_n3A_22 : i32
    %select_n3A_32 = arith.select %and3A_30, %add3A_31, %rem3A_23 : i32
    "tpu.region"() ({
      %run_scoped3A = tpu.sem_alloc : memref<!tpu.dma_semaphore, #tpu.memory_space<semaphore_mem>>
      %dma_start3A_96 = tpu.memref_slice %arg3[%select_n3A, %select_n3A_32] : memref<64x64xi32, #tpu.memory_space<hbm>> -> memref<1x16xi32, #tpu.memory_space<hbm>>
      %dma_start3A_97 = tpu.memref_squeeze %dma_start3A_96 : memref<1x16xi32, #tpu.memory_space<hbm>> -> memref<16xi32, #tpu.memory_space<hbm>>
      %dma_start3A_98 = tpu.memref_slice %arg3[%select_n3A, %select_n3A_32] : memref<64x64xi32, #tpu.memory_space<hbm>> -> memref<1x16xi32, #tpu.memory_space<hbm>>
      %dma_start3A_99 = tpu.memref_squeeze %dma_start3A_98 : memref<1x16xi32, #tpu.memory_space<hbm>> -> memref<16xi32, #tpu.memory_space<hbm>>
      tpu.enqueue_dma source(%dma_start3A_99 : memref<16xi32, #tpu.memory_space<hbm>>) target(%arg6 : memref<16xi32, #tpu.memory_space<vmem>>) target_semaphore(%run_scoped3A : memref<!tpu.dma_semaphore, #tpu.memory_space<semaphore_mem>>)
      %dma_wait3A_100 = tpu.memref_slice %arg3[%select_n3A, %select_n3A_32] : memref<64x64xi32, #tpu.memory_space<hbm>> -> memref<1x16xi32, #tpu.memory_space<hbm>>
      %dma_wait3A_101 = tpu.memref_squeeze %dma_wait3A_100 : memref<1x16xi32, #tpu.memory_space<hbm>> -> memref<16xi32, #tpu.memory_space<hbm>>
      %dma_wait3A_102 = tpu.memref_slice %arg3[%select_n3A, %select_n3A_32] : memref<64x64xi32, #tpu.memory_space<hbm>> -> memref<1x16xi32, #tpu.memory_space<hbm>>
      %dma_wait3A_103 = tpu.memref_squeeze %dma_wait3A_102 : memref<1x16xi32, #tpu.memory_space<hbm>> -> memref<16xi32, #tpu.memory_space<hbm>>
      tpu.wait_dma2 semaphore(%run_scoped3A : memref<!tpu.dma_semaphore, #tpu.memory_space<semaphore_mem>>) src(%dma_wait3A_103 : memref<16xi32, #tpu.memory_space<hbm>>) dst(%arg6 : memref<16xi32, #tpu.memory_space<vmem>>)
      tpu.yield
    }) : () -> ()
    %eq3A_33 = arith.constant 0 : i32
    %eq3A_34 = arith.cmpi eq, %arg1, %eq3A_33 : i32
    %convert_element_type3A = arith.extui %eq3A_34 : i1 to i32
    %cond3A = arith.constant 0 : i32
    %cond3A_35 = arith.cmpi ne, %convert_element_type3A, %cond3A : i32
    scf.if %cond3A_35 {
      "tpu.region"() ({
        %run_scoped3A = tpu.sem_alloc : memref<!tpu.dma_semaphore, #tpu.memory_space<semaphore_mem>>
        tpu.enqueue_dma source(%arg4 : memref<64x1024xf32, #tpu.memory_space<hbm>>) target(%arg7 : memref<64x1024xf32, #tpu.memory_space<vmem_shared>>) target_semaphore(%run_scoped3A : memref<!tpu.dma_semaphore, #tpu.memory_space<semaphore_mem>>)
        tpu.wait_dma2 semaphore(%run_scoped3A : memref<!tpu.dma_semaphore, #tpu.memory_space<semaphore_mem>>) src(%arg4 : memref<64x1024xf32, #tpu.memory_space<hbm>>) dst(%arg7 : memref<64x1024xf32, #tpu.memory_space<vmem_shared>>)
        tpu.yield
      }) : () -> ()
    } else {
    }
    %barrier3A = arith.constant 0 : index
    tpu.barrier barrier_id(%barrier3A)
    "tpu.region"() ({
      %run_scoped3A = tpu.sem_alloc : memref<!tpu.dma_semaphore, #tpu.memory_space<semaphore_mem>>
      tpu.enqueue_dma source(%arg7 : memref<64x1024xf32, #tpu.memory_space<vmem_shared>>) target(%arg8 : memref<64x1024xf32, #tpu.memory_space<vmem>>) target_semaphore(%run_scoped3A : memref<!tpu.dma_semaphore, #tpu.memory_space<semaphore_mem>>)
      tpu.wait_dma2 semaphore(%run_scoped3A : memref<!tpu.dma_semaphore, #tpu.memory_space<semaphore_mem>>) src(%arg7 : memref<64x1024xf32, #tpu.memory_space<vmem_shared>>) dst(%arg8 : memref<64x1024xf32, #tpu.memory_space<vmem>>)
      tpu.yield
    }) : () -> ()
    %add3A_36 = arith.constant 0 : i32
    %add3A_37 = arith.addi %mul3A_2, %add3A_36 : i32
    %dma_start3A = arith.constant 0 : i32
    %dma_start3A_38 = tpu.memref_slice %arg2[%add3A_37, %dma_start3A] : memref<4096x1024xf32, #tpu.memory_space<hbm>> -> memref<16x1024xf32, #tpu.memory_space<hbm>>
    %dma_start3A_39 = arith.constant 0 : i32
    %dma_start3A_40 = tpu.memref_slice %arg2[%add3A_37, %dma_start3A_39] : memref<4096x1024xf32, #tpu.memory_space<hbm>> -> memref<16x1024xf32, #tpu.memory_space<hbm>>
    tpu.enqueue_dma source(%dma_start3A_40 : memref<16x1024xf32, #tpu.memory_space<hbm>>) target(%arg9 : memref<16x1024xf32, #tpu.memory_space<vmem>>) target_semaphore(%arg12 : memref<!tpu.dma_semaphore, #tpu.memory_space<semaphore_mem>>)
    %dma_wait3A = arith.constant 0 : i32
    %dma_wait3A_41 = tpu.memref_slice %arg2[%add3A_37, %dma_wait3A] : memref<4096x1024xf32, #tpu.memory_space<hbm>> -> memref<16x1024xf32, #tpu.memory_space<hbm>>
    %dma_wait3A_42 = arith.constant 0 : i32
    %dma_wait3A_43 = tpu.memref_slice %arg2[%add3A_37, %dma_wait3A_42] : memref<4096x1024xf32, #tpu.memory_space<hbm>> -> memref<16x1024xf32, #tpu.memory_space<hbm>>
    tpu.wait_dma2 semaphore(%arg12 : memref<!tpu.dma_semaphore, #tpu.memory_space<semaphore_mem>>) src(%dma_wait3A_43 : memref<16x1024xf32, #tpu.memory_space<hbm>>) dst(%arg9 : memref<16x1024xf32, #tpu.memory_space<vmem>>)
    %get3A = arith.constant 0 : index
    %get3A_44 = tpu.vector_load %arg6[%get3A] {strides = array<i32>} : memref<16xi32, #tpu.memory_space<vmem>>, vector<16xi32>,
    %slice3A = vector.extract_strided_slice %get3A_44 {offsets = [0], sizes = [1], strides = [1]} : vector<16xi32> to vector<1xi32>
    %squeeze3A = vector.extract %slice3A[0] : i32 from vector<1xi32>
    %slice3A_45 = vector.extract_strided_slice %get3A_44 {offsets = [1], sizes = [1], strides = [1]} : vector<16xi32> to vector<1xi32>
    %squeeze3A_46 = vector.extract %slice3A_45[0] : i32 from vector<1xi32>
    %slice3A_47 = vector.extract_strided_slice %get3A_44 {offsets = [2], sizes = [1], strides = [1]} : vector<16xi32> to vector<1xi32>
    %squeeze3A_48 = vector.extract %slice3A_47[0] : i32 from vector<1xi32>
    %slice3A_49 = vector.extract_strided_slice %get3A_44 {offsets = [3], sizes = [1], strides = [1]} : vector<16xi32> to vector<1xi32>
    %squeeze3A_50 = vector.extract %slice3A_49[0] : i32 from vector<1xi32>
    %parallel_loop3A = arith.constant 0 : i32
    %parallel_loop3A_51 = arith.constant 64 : i32
    %parallel_loop3A_52 = arith.constant 1 : i32
    scf.for %parallel_loop3A_96 = %parallel_loop3A to %parallel_loop3A_51 step %parallel_loop3A_52  : i32 {
      %parallel_loop3A_97 = arith.constant 16 : i32
      %parallel_loop3A_98 = arith.muli %parallel_loop3A_96, %parallel_loop3A_97 : i32
      %parallel_loop3A_99 = arith.index_cast %squeeze3A : i32 to index
      %parallel_loop3A_100 = arith.index_cast %parallel_loop3A_98 : i32 to index
      %parallel_loop3A_101 = tpu.vector_load %arg8[%parallel_loop3A_99, %parallel_loop3A_100] {strides = array<i32>} : memref<64x1024xf32, #tpu.memory_space<vmem>>, vector<16xf32>,
      %parallel_loop3A_102 = arith.constant 0 : i32
      %parallel_loop3A_103 = arith.index_cast %parallel_loop3A_102 : i32 to index
      %parallel_loop3A_104 = arith.index_cast %parallel_loop3A_98 : i32 to index
      %parallel_loop3A_105 = tpu.vector_load %arg9[%parallel_loop3A_103, %parallel_loop3A_104] {strides = array<i32>} : memref<16x1024xf32, #tpu.memory_space<vmem>>, vector<16xf32>,
      tpu.vector_store %arg9[%parallel_loop3A_103, %parallel_loop3A_104], %parallel_loop3A_101 {add = true, strides = array<i32>} : memref<16x1024xf32, #tpu.memory_space<vmem>>, vector<16xf32>,
      %parallel_loop3A_106 = arith.index_cast %squeeze3A_46 : i32 to index
      %parallel_loop3A_107 = arith.index_cast %parallel_loop3A_98 : i32 to index
      %parallel_loop3A_108 = tpu.vector_load %arg8[%parallel_loop3A_106, %parallel_loop3A_107] {strides = array<i32>} : memref<64x1024xf32, #tpu.memory_space<vmem>>, vector<16xf32>,
      %parallel_loop3A_109 = arith.constant 1 : i32
      %parallel_loop3A_110 = arith.index_cast %parallel_loop3A_109 : i32 to index
      %parallel_loop3A_111 = arith.index_cast %parallel_loop3A_98 : i32 to index
      %parallel_loop3A_112 = tpu.vector_load %arg9[%parallel_loop3A_110, %parallel_loop3A_111] {strides = array<i32>} : memref<16x1024xf32, #tpu.memory_space<vmem>>, vector<16xf32>,
      tpu.vector_store %arg9[%parallel_loop3A_110, %parallel_loop3A_111], %parallel_loop3A_108 {add = true, strides = array<i32>} : memref<16x1024xf32, #tpu.memory_space<vmem>>, vector<16xf32>,
      %parallel_loop3A_113 = arith.index_cast %squeeze3A_48 : i32 to index
      %parallel_loop3A_114 = arith.index_cast %parallel_loop3A_98 : i32 to index
      %parallel_loop3A_115 = tpu.vector_load %arg8[%parallel_loop3A_113, %parallel_loop3A_114] {strides = array<i32>} : memref<64x1024xf32, #tpu.memory_space<vmem>>, vector<16xf32>,
      %parallel_loop3A_116 = arith.constant 2 : i32
      %parallel_loop3A_117 = arith.index_cast %parallel_loop3A_116 : i32 to index
      %parallel_loop3A_118 = arith.index_cast %parallel_loop3A_98 : i32 to index
      %parallel_loop3A_119 = tpu.vector_load %arg9[%parallel_loop3A_117, %parallel_loop3A_118] {strides = array<i32>} : memref<16x1024xf32, #tpu.memory_space<vmem>>, vector<16xf32>,
      tpu.vector_store %arg9[%parallel_loop3A_117, %parallel_loop3A_118], %parallel_loop3A_115 {add = true, strides = array<i32>} : memref<16x1024xf32, #tpu.memory_space<vmem>>, vector<16xf32>,
      %parallel_loop3A_120 = arith.index_cast %squeeze3A_50 : i32 to index
      %parallel_loop3A_121 = arith.index_cast %parallel_loop3A_98 : i32 to index
      %parallel_loop3A_122 = tpu.vector_load %arg8[%parallel_loop3A_120, %parallel_loop3A_121] {strides = array<i32>} : memref<64x1024xf32, #tpu.memory_space<vmem>>, vector<16xf32>,
      %parallel_loop3A_123 = arith.constant 3 : i32
      %parallel_loop3A_124 = arith.index_cast %parallel_loop3A_123 : i32 to index
      %parallel_loop3A_125 = arith.index_cast %parallel_loop3A_98 : i32 to index
      %parallel_loop3A_126 = tpu.vector_load %arg9[%parallel_loop3A_124, %parallel_loop3A_125] {strides = array<i32>} : memref<16x1024xf32, #tpu.memory_space<vmem>>, vector<16xf32>,
      tpu.vector_store %arg9[%parallel_loop3A_124, %parallel_loop3A_125], %parallel_loop3A_122 {add = true, strides = array<i32>} : memref<16x1024xf32, #tpu.memory_space<vmem>>, vector<16xf32>,
    } {sc.loop_unroll_factor = 4 : i64, sc.parallel_access}
    %slice3A_53 = vector.extract_strided_slice %get3A_44 {offsets = [4], sizes = [1], strides = [1]} : vector<16xi32> to vector<1xi32>
    %squeeze3A_54 = vector.extract %slice3A_53[0] : i32 from vector<1xi32>
    %slice3A_55 = vector.extract_strided_slice %get3A_44 {offsets = [5], sizes = [1], strides = [1]} : vector<16xi32> to vector<1xi32>
    %squeeze3A_56 = vector.extract %slice3A_55[0] : i32 from vector<1xi32>
    %slice3A_57 = vector.extract_strided_slice %get3A_44 {offsets = [6], sizes = [1], strides = [1]} : vector<16xi32> to vector<1xi32>
    %squeeze3A_58 = vector.extract %slice3A_57[0] : i32 from vector<1xi32>
    %slice3A_59 = vector.extract_strided_slice %get3A_44 {offsets = [7], sizes = [1], strides = [1]} : vector<16xi32> to vector<1xi32>
    %squeeze3A_60 = vector.extract %slice3A_59[0] : i32 from vector<1xi32>
    %parallel_loop3A_61 = arith.constant 0 : i32
    %parallel_loop3A_62 = arith.constant 64 : i32
    %parallel_loop3A_63 = arith.constant 1 : i32
    scf.for %parallel_loop3A_96 = %parallel_loop3A_61 to %parallel_loop3A_62 step %parallel_loop3A_63  : i32 {
      %parallel_loop3A_97 = arith.constant 16 : i32
      %parallel_loop3A_98 = arith.muli %parallel_loop3A_96, %parallel_loop3A_97 : i32
      %parallel_loop3A_99 = arith.index_cast %squeeze3A_54 : i32 to index
      %parallel_loop3A_100 = arith.index_cast %parallel_loop3A_98 : i32 to index
      %parallel_loop3A_101 = tpu.vector_load %arg8[%parallel_loop3A_99, %parallel_loop3A_100] {strides = array<i32>} : memref<64x1024xf32, #tpu.memory_space<vmem>>, vector<16xf32>,
      %parallel_loop3A_102 = arith.constant 4 : i32
      %parallel_loop3A_103 = arith.index_cast %parallel_loop3A_102 : i32 to index
      %parallel_loop3A_104 = arith.index_cast %parallel_loop3A_98 : i32 to index
      %parallel_loop3A_105 = tpu.vector_load %arg9[%parallel_loop3A_103, %parallel_loop3A_104] {strides = array<i32>} : memref<16x1024xf32, #tpu.memory_space<vmem>>, vector<16xf32>,
      tpu.vector_store %arg9[%parallel_loop3A_103, %parallel_loop3A_104], %parallel_loop3A_101 {add = true, strides = array<i32>} : memref<16x1024xf32, #tpu.memory_space<vmem>>, vector<16xf32>,
      %parallel_loop3A_106 = arith.index_cast %squeeze3A_56 : i32 to index
      %parallel_loop3A_107 = arith.index_cast %parallel_loop3A_98 : i32 to index
      %parallel_loop3A_108 = tpu.vector_load %arg8[%parallel_loop3A_106, %parallel_loop3A_107] {strides = array<i32>} : memref<64x1024xf32, #tpu.memory_space<vmem>>, vector<16xf32>,
      %parallel_loop3A_109 = arith.constant 5 : i32
      %parallel_loop3A_110 = arith.index_cast %parallel_loop3A_109 : i32 to index
      %parallel_loop3A_111 = arith.index_cast %parallel_loop3A_98 : i32 to index
      %parallel_loop3A_112 = tpu.vector_load %arg9[%parallel_loop3A_110, %parallel_loop3A_111] {strides = array<i32>} : memref<16x1024xf32, #tpu.memory_space<vmem>>, vector<16xf32>,
      tpu.vector_store %arg9[%parallel_loop3A_110, %parallel_loop3A_111], %parallel_loop3A_108 {add = true, strides = array<i32>} : memref<16x1024xf32, #tpu.memory_space<vmem>>, vector<16xf32>,
      %parallel_loop3A_113 = arith.index_cast %squeeze3A_58 : i32 to index
      %parallel_loop3A_114 = arith.index_cast %parallel_loop3A_98 : i32 to index
      %parallel_loop3A_115 = tpu.vector_load %arg8[%parallel_loop3A_113, %parallel_loop3A_114] {strides = array<i32>} : memref<64x1024xf32, #tpu.memory_space<vmem>>, vector<16xf32>,
      %parallel_loop3A_116 = arith.constant 6 : i32
      %parallel_loop3A_117 = arith.index_cast %parallel_loop3A_116 : i32 to index
      %parallel_loop3A_118 = arith.index_cast %parallel_loop3A_98 : i32 to index
      %parallel_loop3A_119 = tpu.vector_load %arg9[%parallel_loop3A_117, %parallel_loop3A_118] {strides = array<i32>} : memref<16x1024xf32, #tpu.memory_space<vmem>>, vector<16xf32>,
      tpu.vector_store %arg9[%parallel_loop3A_117, %parallel_loop3A_118], %parallel_loop3A_115 {add = true, strides = array<i32>} : memref<16x1024xf32, #tpu.memory_space<vmem>>, vector<16xf32>,
      %parallel_loop3A_120 = arith.index_cast %squeeze3A_60 : i32 to index
      %parallel_loop3A_121 = arith.index_cast %parallel_loop3A_98 : i32 to index
      %parallel_loop3A_122 = tpu.vector_load %arg8[%parallel_loop3A_120, %parallel_loop3A_121] {strides = array<i32>} : memref<64x1024xf32, #tpu.memory_space<vmem>>, vector<16xf32>,
      %parallel_loop3A_123 = arith.constant 7 : i32
      %parallel_loop3A_124 = arith.index_cast %parallel_loop3A_123 : i32 to index
      %parallel_loop3A_125 = arith.index_cast %parallel_loop3A_98 : i32 to index
      %parallel_loop3A_126 = tpu.vector_load %arg9[%parallel_loop3A_124, %parallel_loop3A_125] {strides = array<i32>} : memref<16x1024xf32, #tpu.memory_space<vmem>>, vector<16xf32>,
      tpu.vector_store %arg9[%parallel_loop3A_124, %parallel_loop3A_125], %parallel_loop3A_122 {add = true, strides = array<i32>} : memref<16x1024xf32, #tpu.memory_space<vmem>>, vector<16xf32>,
    } {sc.loop_unroll_factor = 4 : i64, sc.parallel_access}
    %slice3A_64 = vector.extract_strided_slice %get3A_44 {offsets = [8], sizes = [1], strides = [1]} : vector<16xi32> to vector<1xi32>
    %squeeze3A_65 = vector.extract %slice3A_64[0] : i32 from vector<1xi32>
    %slice3A_66 = vector.extract_strided_slice %get3A_44 {offsets = [9], sizes = [1], strides = [1]} : vector<16xi32> to vector<1xi32>
    %squeeze3A_67 = vector.extract %slice3A_66[0] : i32 from vector<1xi32>
    %slice3A_68 = vector.extract_strided_slice %get3A_44 {offsets = [10], sizes = [1], strides = [1]} : vector<16xi32> to vector<1xi32>
    %squeeze3A_69 = vector.extract %slice3A_68[0] : i32 from vector<1xi32>
    %slice3A_70 = vector.extract_strided_slice %get3A_44 {offsets = [11], sizes = [1], strides = [1]} : vector<16xi32> to vector<1xi32>
    %squeeze3A_71 = vector.extract %slice3A_70[0] : i32 from vector<1xi32>
    %parallel_loop3A_72 = arith.constant 0 : i32
    %parallel_loop3A_73 = arith.constant 64 : i32
    %parallel_loop3A_74 = arith.constant 1 : i32
    scf.for %parallel_loop3A_96 = %parallel_loop3A_72 to %parallel_loop3A_73 step %parallel_loop3A_74  : i32 {
      %parallel_loop3A_97 = arith.constant 16 : i32
      %parallel_loop3A_98 = arith.muli %parallel_loop3A_96, %parallel_loop3A_97 : i32
      %parallel_loop3A_99 = arith.index_cast %squeeze3A_65 : i32 to index
      %parallel_loop3A_100 = arith.index_cast %parallel_loop3A_98 : i32 to index
      %parallel_loop3A_101 = tpu.vector_load %arg8[%parallel_loop3A_99, %parallel_loop3A_100] {strides = array<i32>} : memref<64x1024xf32, #tpu.memory_space<vmem>>, vector<16xf32>,
      %parallel_loop3A_102 = arith.constant 8 : i32
      %parallel_loop3A_103 = arith.index_cast %parallel_loop3A_102 : i32 to index
      %parallel_loop3A_104 = arith.index_cast %parallel_loop3A_98 : i32 to index
      %parallel_loop3A_105 = tpu.vector_load %arg9[%parallel_loop3A_103, %parallel_loop3A_104] {strides = array<i32>} : memref<16x1024xf32, #tpu.memory_space<vmem>>, vector<16xf32>,
      tpu.vector_store %arg9[%parallel_loop3A_103, %parallel_loop3A_104], %parallel_loop3A_101 {add = true, strides = array<i32>} : memref<16x1024xf32, #tpu.memory_space<vmem>>, vector<16xf32>,
      %parallel_loop3A_106 = arith.index_cast %squeeze3A_67 : i32 to index
      %parallel_loop3A_107 = arith.index_cast %parallel_loop3A_98 : i32 to index
      %parallel_loop3A_108 = tpu.vector_load %arg8[%parallel_loop3A_106, %parallel_loop3A_107] {strides = array<i32>} : memref<64x1024xf32, #tpu.memory_space<vmem>>, vector<16xf32>,
      %parallel_loop3A_109 = arith.constant 9 : i32
      %parallel_loop3A_110 = arith.index_cast %parallel_loop3A_109 : i32 to index
      %parallel_loop3A_111 = arith.index_cast %parallel_loop3A_98 : i32 to index
      %parallel_loop3A_112 = tpu.vector_load %arg9[%parallel_loop3A_110, %parallel_loop3A_111] {strides = array<i32>} : memref<16x1024xf32, #tpu.memory_space<vmem>>, vector<16xf32>,
      tpu.vector_store %arg9[%parallel_loop3A_110, %parallel_loop3A_111], %parallel_loop3A_108 {add = true, strides = array<i32>} : memref<16x1024xf32, #tpu.memory_space<vmem>>, vector<16xf32>,
      %parallel_loop3A_113 = arith.index_cast %squeeze3A_69 : i32 to index
      %parallel_loop3A_114 = arith.index_cast %parallel_loop3A_98 : i32 to index
      %parallel_loop3A_115 = tpu.vector_load %arg8[%parallel_loop3A_113, %parallel_loop3A_114] {strides = array<i32>} : memref<64x1024xf32, #tpu.memory_space<vmem>>, vector<16xf32>,
      %parallel_loop3A_116 = arith.constant 10 : i32
      %parallel_loop3A_117 = arith.index_cast %parallel_loop3A_116 : i32 to index
      %parallel_loop3A_118 = arith.index_cast %parallel_loop3A_98 : i32 to index
      %parallel_loop3A_119 = tpu.vector_load %arg9[%parallel_loop3A_117, %parallel_loop3A_118] {strides = array<i32>} : memref<16x1024xf32, #tpu.memory_space<vmem>>, vector<16xf32>,
      tpu.vector_store %arg9[%parallel_loop3A_117, %parallel_loop3A_118], %parallel_loop3A_115 {add = true, strides = array<i32>} : memref<16x1024xf32, #tpu.memory_space<vmem>>, vector<16xf32>,
      %parallel_loop3A_120 = arith.index_cast %squeeze3A_71 : i32 to index
      %parallel_loop3A_121 = arith.index_cast %parallel_loop3A_98 : i32 to index
      %parallel_loop3A_122 = tpu.vector_load %arg8[%parallel_loop3A_120, %parallel_loop3A_121] {strides = array<i32>} : memref<64x1024xf32, #tpu.memory_space<vmem>>, vector<16xf32>,
      %parallel_loop3A_123 = arith.constant 11 : i32
      %parallel_loop3A_124 = arith.index_cast %parallel_loop3A_123 : i32 to index
      %parallel_loop3A_125 = arith.index_cast %parallel_loop3A_98 : i32 to index
      %parallel_loop3A_126 = tpu.vector_load %arg9[%parallel_loop3A_124, %parallel_loop3A_125] {strides = array<i32>} : memref<16x1024xf32, #tpu.memory_space<vmem>>, vector<16xf32>,
      tpu.vector_store %arg9[%parallel_loop3A_124, %parallel_loop3A_125], %parallel_loop3A_122 {add = true, strides = array<i32>} : memref<16x1024xf32, #tpu.memory_space<vmem>>, vector<16xf32>,
    } {sc.loop_unroll_factor = 4 : i64, sc.parallel_access}
    %slice3A_75 = vector.extract_strided_slice %get3A_44 {offsets = [12], sizes = [1], strides = [1]} : vector<16xi32> to vector<1xi32>
    %squeeze3A_76 = vector.extract %slice3A_75[0] : i32 from vector<1xi32>
    %slice3A_77 = vector.extract_strided_slice %get3A_44 {offsets = [13], sizes = [1], strides = [1]} : vector<16xi32> to vector<1xi32>
    %squeeze3A_78 = vector.extract %slice3A_77[0] : i32 from vector<1xi32>
    %slice3A_79 = vector.extract_strided_slice %get3A_44 {offsets = [14], sizes = [1], strides = [1]} : vector<16xi32> to vector<1xi32>
    %squeeze3A_80 = vector.extract %slice3A_79[0] : i32 from vector<1xi32>
    %slice3A_81 = vector.extract_strided_slice %get3A_44 {offsets = [15], sizes = [1], strides = [1]} : vector<16xi32> to vector<1xi32>
    %squeeze3A_82 = vector.extract %slice3A_81[0] : i32 from vector<1xi32>
    %parallel_loop3A_83 = arith.constant 0 : i32
    %parallel_loop3A_84 = arith.constant 64 : i32
    %parallel_loop3A_85 = arith.constant 1 : i32
    scf.for %parallel_loop3A_96 = %parallel_loop3A_83 to %parallel_loop3A_84 step %parallel_loop3A_85  : i32 {
      %parallel_loop3A_97 = arith.constant 16 : i32
      %parallel_loop3A_98 = arith.muli %parallel_loop3A_96, %parallel_loop3A_97 : i32
      %parallel_loop3A_99 = arith.index_cast %squeeze3A_76 : i32 to index
      %parallel_loop3A_100 = arith.index_cast %parallel_loop3A_98 : i32 to index
      %parallel_loop3A_101 = tpu.vector_load %arg8[%parallel_loop3A_99, %parallel_loop3A_100] {strides = array<i32>} : memref<64x1024xf32, #tpu.memory_space<vmem>>, vector<16xf32>,
      %parallel_loop3A_102 = arith.constant 12 : i32
      %parallel_loop3A_103 = arith.index_cast %parallel_loop3A_102 : i32 to index
      %parallel_loop3A_104 = arith.index_cast %parallel_loop3A_98 : i32 to index
      %parallel_loop3A_105 = tpu.vector_load %arg9[%parallel_loop3A_103, %parallel_loop3A_104] {strides = array<i32>} : memref<16x1024xf32, #tpu.memory_space<vmem>>, vector<16xf32>,
      tpu.vector_store %arg9[%parallel_loop3A_103, %parallel_loop3A_104], %parallel_loop3A_101 {add = true, strides = array<i32>} : memref<16x1024xf32, #tpu.memory_space<vmem>>, vector<16xf32>,
      %parallel_loop3A_106 = arith.index_cast %squeeze3A_78 : i32 to index
      %parallel_loop3A_107 = arith.index_cast %parallel_loop3A_98 : i32 to index
      %parallel_loop3A_108 = tpu.vector_load %arg8[%parallel_loop3A_106, %parallel_loop3A_107] {strides = array<i32>} : memref<64x1024xf32, #tpu.memory_space<vmem>>, vector<16xf32>,
      %parallel_loop3A_109 = arith.constant 13 : i32
      %parallel_loop3A_110 = arith.index_cast %parallel_loop3A_109 : i32 to index
      %parallel_loop3A_111 = arith.index_cast %parallel_loop3A_98 : i32 to index
      %parallel_loop3A_112 = tpu.vector_load %arg9[%parallel_loop3A_110, %parallel_loop3A_111] {strides = array<i32>} : memref<16x1024xf32, #tpu.memory_space<vmem>>, vector<16xf32>,
      tpu.vector_store %arg9[%parallel_loop3A_110, %parallel_loop3A_111], %parallel_loop3A_108 {add = true, strides = array<i32>} : memref<16x1024xf32, #tpu.memory_space<vmem>>, vector<16xf32>,
      %parallel_loop3A_113 = arith.index_cast %squeeze3A_80 : i32 to index
      %parallel_loop3A_114 = arith.index_cast %parallel_loop3A_98 : i32 to index
      %parallel_loop3A_115 = tpu.vector_load %arg8[%parallel_loop3A_113, %parallel_loop3A_114] {strides = array<i32>} : memref<64x1024xf32, #tpu.memory_space<vmem>>, vector<16xf32>,
      %parallel_loop3A_116 = arith.constant 14 : i32
      %parallel_loop3A_117 = arith.index_cast %parallel_loop3A_116 : i32 to index
      %parallel_loop3A_118 = arith.index_cast %parallel_loop3A_98 : i32 to index
      %parallel_loop3A_119 = tpu.vector_load %arg9[%parallel_loop3A_117, %parallel_loop3A_118] {strides = array<i32>} : memref<16x1024xf32, #tpu.memory_space<vmem>>, vector<16xf32>,
      tpu.vector_store %arg9[%parallel_loop3A_117, %parallel_loop3A_118], %parallel_loop3A_115 {add = true, strides = array<i32>} : memref<16x1024xf32, #tpu.memory_space<vmem>>, vector<16xf32>,
      %parallel_loop3A_120 = arith.index_cast %squeeze3A_82 : i32 to index
      %parallel_loop3A_121 = arith.index_cast %parallel_loop3A_98 : i32 to index
      %parallel_loop3A_122 = tpu.vector_load %arg8[%parallel_loop3A_120, %parallel_loop3A_121] {strides = array<i32>} : memref<64x1024xf32, #tpu.memory_space<vmem>>, vector<16xf32>,
      %parallel_loop3A_123 = arith.constant 15 : i32
      %parallel_loop3A_124 = arith.index_cast %parallel_loop3A_123 : i32 to index
      %parallel_loop3A_125 = arith.index_cast %parallel_loop3A_98 : i32 to index
      %parallel_loop3A_126 = tpu.vector_load %arg9[%parallel_loop3A_124, %parallel_loop3A_125] {strides = array<i32>} : memref<16x1024xf32, #tpu.memory_space<vmem>>, vector<16xf32>,
      tpu.vector_store %arg9[%parallel_loop3A_124, %parallel_loop3A_125], %parallel_loop3A_122 {add = true, strides = array<i32>} : memref<16x1024xf32, #tpu.memory_space<vmem>>, vector<16xf32>,
    } {sc.loop_unroll_factor = 4 : i64, sc.parallel_access}
    %add3A_86 = arith.constant 0 : i32
    %add3A_87 = arith.addi %mul3A_2, %add3A_86 : i32
    %dma_start3A_88 = arith.constant 0 : i32
    %dma_start3A_89 = tpu.memref_slice %arg5[%add3A_87, %dma_start3A_88] : memref<512x1024xf32, #tpu.memory_space<hbm>> -> memref<16x1024xf32, #tpu.memory_space<hbm>>
    %dma_start3A_90 = arith.constant 0 : i32
    %dma_start3A_91 = tpu.memref_slice %arg5[%add3A_87, %dma_start3A_90] : memref<512x1024xf32, #tpu.memory_space<hbm>> -> memref<16x1024xf32, #tpu.memory_space<hbm>>
    tpu.enqueue_dma source(%arg9 : memref<16x1024xf32, #tpu.memory_space<vmem>>) target(%dma_start3A_91 : memref<16x1024xf32, #tpu.memory_space<hbm>>) target_semaphore(%arg15 : memref<!tpu.dma_semaphore, #tpu.memory_space<semaphore_mem>>)
    %dma_wait3A_92 = arith.constant 0 : i32
    %dma_wait3A_93 = tpu.memref_slice %arg5[%add3A_87, %dma_wait3A_92] : memref<512x1024xf32, #tpu.memory_space<hbm>> -> memref<16x1024xf32, #tpu.memory_space<hbm>>
    %dma_wait3A_94 = arith.constant 0 : i32
    %dma_wait3A_95 = tpu.memref_slice %arg5[%add3A_87, %dma_wait3A_94] : memref<512x1024xf32, #tpu.memory_space<hbm>> -> memref<16x1024xf32, #tpu.memory_space<hbm>>
    tpu.wait_dma2 semaphore(%arg15 : memref<!tpu.dma_semaphore, #tpu.memory_space<semaphore_mem>>) src(%arg9 : memref<16x1024xf32, #tpu.memory_space<vmem>>) dst(%dma_wait3A_95 : memref<16x1024xf32, #tpu.memory_space<hbm>>)
    return
  }
}

module attributes {stable_mosaic.version = 14 : i64} {
  func.func @_tc_body(%arg0: i32, %arg1: memref<8x64xi32, #tpu.memory_space<vmem>>, %arg2: memref<512x1024xf32, #tpu.memory_space<vmem>>, %arg3: memref<64x1024xf32, #tpu.memory_space<vmem>>, %arg4: memref<512x1024xf32, #tpu.memory_space<vmem>>) attributes {dimension_semantics = [#tpu.dimension_semantics<arbitrary>], iteration_bounds = array<i64: 7>, scalar_prefetch = 0 : i64, scratch_operands = 0 : i64, tpu.core_type = #tpu.core_type<tc>, window_params = [{transform_indices = @transform_0, window_bounds = array<i64: 8, 64>}, {transform_indices = @transform_1, window_bounds = array<i64: 512, 1024>}, {pipeline_mode = #tpu.pipeline_mode<synchronous>, transform_indices = @transform_2, window_bounds = array<i64: 64, 1024>}, {transform_indices = @transform_3, window_bounds = array<i64: 512, 1024>}]} {
    %get3A = arith.constant 0 : index
    %get3A_0 = arith.constant 0 : index
    %get3A_1 = vector.load %arg3[%get3A, %get3A_0] : memref<64x1024xf32, #tpu.memory_space<vmem>>, vector<64x1024xf32>
    %get3A_2 = arith.constant 0 : index
    %get3A_3 = arith.constant 0 : index
    %get3A_4 = vector.load %arg1[%get3A_2, %get3A_3] : memref<8x64xi32, #tpu.memory_space<vmem>>, vector<1x64xi32>
    %get3A_5 = vector.shape_cast %get3A_4 : vector<1x64xi32> to vector<64xi32>
    %broadcast_in_dim3A = vector.shape_cast %get3A_5 : vector<64xi32> to vector<64x1xi32>
    %iota3A = tpu.iota {dimensions = array<i32: 1>} : vector<1x64xi32>
    %eq3A = vector.broadcast %broadcast_in_dim3A : vector<64x1xi32> to vector<64x64xi32>
    %eq3A_6 = vector.broadcast %iota3A : vector<1x64xi32> to vector<64x64xi32>
    %eq3A_7 = arith.cmpi eq, %eq3A, %eq3A_6 : vector<64x64xi32>
    %convert_element_type3A = arith.extui %eq3A_7 : vector<64x64xi1> to vector<64x64xi32>
    %convert_element_type3A_8 = arith.sitofp %convert_element_type3A : vector<64x64xi32> to vector<64x64xf32>
    %get3A_9 = arith.constant 0 : index
    %get3A_10 = arith.constant 0 : index
    %get3A_11 = vector.load %arg2[%get3A_9, %get3A_10] : memref<512x1024xf32, #tpu.memory_space<vmem>>, vector<64x1024xf32>
    %dot_general3A = arith.constant dense<0.000000e+00> : vector<64x1024xf32>
    %dot_general3A_12 = tpu.matmul %convert_element_type3A_8, %get3A_1, %dot_general3A {dimension_numbers = #tpu.dot_dimension_numbers<[1], [0], [0], [1], [0, 0, 1, 1], [], []>, transpose_lhs_hint = false} : vector<64x64xf32>, vector<64x1024xf32>, vector<64x1024xf32> -> vector<64x1024xf32>
    %add3A = arith.addf %get3A_11, %dot_general3A_12 : vector<64x1024xf32>
    %swap3A = arith.constant 0 : index
    %swap3A_13 = arith.constant 0 : index
    %swap3A_14 = vector.load %arg4[%swap3A, %swap3A_13] : memref<512x1024xf32, #tpu.memory_space<vmem>>, vector<64x1024xf32>
    tpu.vector_store %arg4[%swap3A, %swap3A_13], %add3A {strides = array<i32>} : memref<512x1024xf32, #tpu.memory_space<vmem>>, vector<64x1024xf32>,
    %get3A_15 = arith.constant 1 : index
    %get3A_16 = arith.constant 0 : index
    %get3A_17 = vector.load %arg1[%get3A_15, %get3A_16] : memref<8x64xi32, #tpu.memory_space<vmem>>, vector<1x64xi32>
    %get3A_18 = vector.shape_cast %get3A_17 : vector<1x64xi32> to vector<64xi32>
    %broadcast_in_dim3A_19 = vector.shape_cast %get3A_18 : vector<64xi32> to vector<64x1xi32>
    %iota3A_20 = tpu.iota {dimensions = array<i32: 1>} : vector<1x64xi32>
    %eq3A_21 = vector.broadcast %broadcast_in_dim3A_19 : vector<64x1xi32> to vector<64x64xi32>
    %eq3A_22 = vector.broadcast %iota3A_20 : vector<1x64xi32> to vector<64x64xi32>
    %eq3A_23 = arith.cmpi eq, %eq3A_21, %eq3A_22 : vector<64x64xi32>
    %convert_element_type3A_24 = arith.extui %eq3A_23 : vector<64x64xi1> to vector<64x64xi32>
    %convert_element_type3A_25 = arith.sitofp %convert_element_type3A_24 : vector<64x64xi32> to vector<64x64xf32>
    %get3A_26 = arith.constant 64 : index
    %get3A_27 = arith.constant 0 : index
    %get3A_28 = vector.load %arg2[%get3A_26, %get3A_27] : memref<512x1024xf32, #tpu.memory_space<vmem>>, vector<64x1024xf32>
    %dot_general3A_29 = arith.constant dense<0.000000e+00> : vector<64x1024xf32>
    %dot_general3A_30 = tpu.matmul %convert_element_type3A_25, %get3A_1, %dot_general3A_29 {dimension_numbers = #tpu.dot_dimension_numbers<[1], [0], [0], [1], [0, 0, 1, 1], [], []>, transpose_lhs_hint = false} : vector<64x64xf32>, vector<64x1024xf32>, vector<64x1024xf32> -> vector<64x1024xf32>
    %add3A_31 = arith.addf %get3A_28, %dot_general3A_30 : vector<64x1024xf32>
    %swap3A_32 = arith.constant 64 : index
    %swap3A_33 = arith.constant 0 : index
    %swap3A_34 = vector.load %arg4[%swap3A_32, %swap3A_33] : memref<512x1024xf32, #tpu.memory_space<vmem>>, vector<64x1024xf32>
    tpu.vector_store %arg4[%swap3A_32, %swap3A_33], %add3A_31 {strides = array<i32>} : memref<512x1024xf32, #tpu.memory_space<vmem>>, vector<64x1024xf32>,
    %get3A_35 = arith.constant 2 : index
    %get3A_36 = arith.constant 0 : index
    %get3A_37 = vector.load %arg1[%get3A_35, %get3A_36] : memref<8x64xi32, #tpu.memory_space<vmem>>, vector<1x64xi32>
    %get3A_38 = vector.shape_cast %get3A_37 : vector<1x64xi32> to vector<64xi32>
    %broadcast_in_dim3A_39 = vector.shape_cast %get3A_38 : vector<64xi32> to vector<64x1xi32>
    %iota3A_40 = tpu.iota {dimensions = array<i32: 1>} : vector<1x64xi32>
    %eq3A_41 = vector.broadcast %broadcast_in_dim3A_39 : vector<64x1xi32> to vector<64x64xi32>
    %eq3A_42 = vector.broadcast %iota3A_40 : vector<1x64xi32> to vector<64x64xi32>
    %eq3A_43 = arith.cmpi eq, %eq3A_41, %eq3A_42 : vector<64x64xi32>
    %convert_element_type3A_44 = arith.extui %eq3A_43 : vector<64x64xi1> to vector<64x64xi32>
    %convert_element_type3A_45 = arith.sitofp %convert_element_type3A_44 : vector<64x64xi32> to vector<64x64xf32>
    %get3A_46 = arith.constant 128 : index
    %get3A_47 = arith.constant 0 : index
    %get3A_48 = vector.load %arg2[%get3A_46, %get3A_47] : memref<512x1024xf32, #tpu.memory_space<vmem>>, vector<64x1024xf32>
    %dot_general3A_49 = arith.constant dense<0.000000e+00> : vector<64x1024xf32>
    %dot_general3A_50 = tpu.matmul %convert_element_type3A_45, %get3A_1, %dot_general3A_49 {dimension_numbers = #tpu.dot_dimension_numbers<[1], [0], [0], [1], [0, 0, 1, 1], [], []>, transpose_lhs_hint = false} : vector<64x64xf32>, vector<64x1024xf32>, vector<64x1024xf32> -> vector<64x1024xf32>
    %add3A_51 = arith.addf %get3A_48, %dot_general3A_50 : vector<64x1024xf32>
    %swap3A_52 = arith.constant 128 : index
    %swap3A_53 = arith.constant 0 : index
    %swap3A_54 = vector.load %arg4[%swap3A_52, %swap3A_53] : memref<512x1024xf32, #tpu.memory_space<vmem>>, vector<64x1024xf32>
    tpu.vector_store %arg4[%swap3A_52, %swap3A_53], %add3A_51 {strides = array<i32>} : memref<512x1024xf32, #tpu.memory_space<vmem>>, vector<64x1024xf32>,
    %get3A_55 = arith.constant 3 : index
    %get3A_56 = arith.constant 0 : index
    %get3A_57 = vector.load %arg1[%get3A_55, %get3A_56] : memref<8x64xi32, #tpu.memory_space<vmem>>, vector<1x64xi32>
    %get3A_58 = vector.shape_cast %get3A_57 : vector<1x64xi32> to vector<64xi32>
    %broadcast_in_dim3A_59 = vector.shape_cast %get3A_58 : vector<64xi32> to vector<64x1xi32>
    %iota3A_60 = tpu.iota {dimensions = array<i32: 1>} : vector<1x64xi32>
    %eq3A_61 = vector.broadcast %broadcast_in_dim3A_59 : vector<64x1xi32> to vector<64x64xi32>
    %eq3A_62 = vector.broadcast %iota3A_60 : vector<1x64xi32> to vector<64x64xi32>
    %eq3A_63 = arith.cmpi eq, %eq3A_61, %eq3A_62 : vector<64x64xi32>
    %convert_element_type3A_64 = arith.extui %eq3A_63 : vector<64x64xi1> to vector<64x64xi32>
    %convert_element_type3A_65 = arith.sitofp %convert_element_type3A_64 : vector<64x64xi32> to vector<64x64xf32>
    %get3A_66 = arith.constant 192 : index
    %get3A_67 = arith.constant 0 : index
    %get3A_68 = vector.load %arg2[%get3A_66, %get3A_67] : memref<512x1024xf32, #tpu.memory_space<vmem>>, vector<64x1024xf32>
    %dot_general3A_69 = arith.constant dense<0.000000e+00> : vector<64x1024xf32>
    %dot_general3A_70 = tpu.matmul %convert_element_type3A_65, %get3A_1, %dot_general3A_69 {dimension_numbers = #tpu.dot_dimension_numbers<[1], [0], [0], [1], [0, 0, 1, 1], [], []>, transpose_lhs_hint = false} : vector<64x64xf32>, vector<64x1024xf32>, vector<64x1024xf32> -> vector<64x1024xf32>
    %add3A_71 = arith.addf %get3A_68, %dot_general3A_70 : vector<64x1024xf32>
    %swap3A_72 = arith.constant 192 : index
    %swap3A_73 = arith.constant 0 : index
    %swap3A_74 = vector.load %arg4[%swap3A_72, %swap3A_73] : memref<512x1024xf32, #tpu.memory_space<vmem>>, vector<64x1024xf32>
    tpu.vector_store %arg4[%swap3A_72, %swap3A_73], %add3A_71 {strides = array<i32>} : memref<512x1024xf32, #tpu.memory_space<vmem>>, vector<64x1024xf32>,
    %get3A_75 = arith.constant 4 : index
    %get3A_76 = arith.constant 0 : index
    %get3A_77 = vector.load %arg1[%get3A_75, %get3A_76] : memref<8x64xi32, #tpu.memory_space<vmem>>, vector<1x64xi32>
    %get3A_78 = vector.shape_cast %get3A_77 : vector<1x64xi32> to vector<64xi32>
    %broadcast_in_dim3A_79 = vector.shape_cast %get3A_78 : vector<64xi32> to vector<64x1xi32>
    %iota3A_80 = tpu.iota {dimensions = array<i32: 1>} : vector<1x64xi32>
    %eq3A_81 = vector.broadcast %broadcast_in_dim3A_79 : vector<64x1xi32> to vector<64x64xi32>
    %eq3A_82 = vector.broadcast %iota3A_80 : vector<1x64xi32> to vector<64x64xi32>
    %eq3A_83 = arith.cmpi eq, %eq3A_81, %eq3A_82 : vector<64x64xi32>
    %convert_element_type3A_84 = arith.extui %eq3A_83 : vector<64x64xi1> to vector<64x64xi32>
    %convert_element_type3A_85 = arith.sitofp %convert_element_type3A_84 : vector<64x64xi32> to vector<64x64xf32>
    %get3A_86 = arith.constant 256 : index
    %get3A_87 = arith.constant 0 : index
    %get3A_88 = vector.load %arg2[%get3A_86, %get3A_87] : memref<512x1024xf32, #tpu.memory_space<vmem>>, vector<64x1024xf32>
    %dot_general3A_89 = arith.constant dense<0.000000e+00> : vector<64x1024xf32>
    %dot_general3A_90 = tpu.matmul %convert_element_type3A_85, %get3A_1, %dot_general3A_89 {dimension_numbers = #tpu.dot_dimension_numbers<[1], [0], [0], [1], [0, 0, 1, 1], [], []>, transpose_lhs_hint = false} : vector<64x64xf32>, vector<64x1024xf32>, vector<64x1024xf32> -> vector<64x1024xf32>
    %add3A_91 = arith.addf %get3A_88, %dot_general3A_90 : vector<64x1024xf32>
    %swap3A_92 = arith.constant 256 : index
    %swap3A_93 = arith.constant 0 : index
    %swap3A_94 = vector.load %arg4[%swap3A_92, %swap3A_93] : memref<512x1024xf32, #tpu.memory_space<vmem>>, vector<64x1024xf32>
    tpu.vector_store %arg4[%swap3A_92, %swap3A_93], %add3A_91 {strides = array<i32>} : memref<512x1024xf32, #tpu.memory_space<vmem>>, vector<64x1024xf32>,
    %get3A_95 = arith.constant 5 : index
    %get3A_96 = arith.constant 0 : index
    %get3A_97 = vector.load %arg1[%get3A_95, %get3A_96] : memref<8x64xi32, #tpu.memory_space<vmem>>, vector<1x64xi32>
    %get3A_98 = vector.shape_cast %get3A_97 : vector<1x64xi32> to vector<64xi32>
    %broadcast_in_dim3A_99 = vector.shape_cast %get3A_98 : vector<64xi32> to vector<64x1xi32>
    %iota3A_100 = tpu.iota {dimensions = array<i32: 1>} : vector<1x64xi32>
    %eq3A_101 = vector.broadcast %broadcast_in_dim3A_99 : vector<64x1xi32> to vector<64x64xi32>
    %eq3A_102 = vector.broadcast %iota3A_100 : vector<1x64xi32> to vector<64x64xi32>
    %eq3A_103 = arith.cmpi eq, %eq3A_101, %eq3A_102 : vector<64x64xi32>
    %convert_element_type3A_104 = arith.extui %eq3A_103 : vector<64x64xi1> to vector<64x64xi32>
    %convert_element_type3A_105 = arith.sitofp %convert_element_type3A_104 : vector<64x64xi32> to vector<64x64xf32>
    %get3A_106 = arith.constant 320 : index
    %get3A_107 = arith.constant 0 : index
    %get3A_108 = vector.load %arg2[%get3A_106, %get3A_107] : memref<512x1024xf32, #tpu.memory_space<vmem>>, vector<64x1024xf32>
    %dot_general3A_109 = arith.constant dense<0.000000e+00> : vector<64x1024xf32>
    %dot_general3A_110 = tpu.matmul %convert_element_type3A_105, %get3A_1, %dot_general3A_109 {dimension_numbers = #tpu.dot_dimension_numbers<[1], [0], [0], [1], [0, 0, 1, 1], [], []>, transpose_lhs_hint = false} : vector<64x64xf32>, vector<64x1024xf32>, vector<64x1024xf32> -> vector<64x1024xf32>
    %add3A_111 = arith.addf %get3A_108, %dot_general3A_110 : vector<64x1024xf32>
    %swap3A_112 = arith.constant 320 : index
    %swap3A_113 = arith.constant 0 : index
    %swap3A_114 = vector.load %arg4[%swap3A_112, %swap3A_113] : memref<512x1024xf32, #tpu.memory_space<vmem>>, vector<64x1024xf32>
    tpu.vector_store %arg4[%swap3A_112, %swap3A_113], %add3A_111 {strides = array<i32>} : memref<512x1024xf32, #tpu.memory_space<vmem>>, vector<64x1024xf32>,
    %get3A_115 = arith.constant 6 : index
    %get3A_116 = arith.constant 0 : index
    %get3A_117 = vector.load %arg1[%get3A_115, %get3A_116] : memref<8x64xi32, #tpu.memory_space<vmem>>, vector<1x64xi32>
    %get3A_118 = vector.shape_cast %get3A_117 : vector<1x64xi32> to vector<64xi32>
    %broadcast_in_dim3A_119 = vector.shape_cast %get3A_118 : vector<64xi32> to vector<64x1xi32>
    %iota3A_120 = tpu.iota {dimensions = array<i32: 1>} : vector<1x64xi32>
    %eq3A_121 = vector.broadcast %broadcast_in_dim3A_119 : vector<64x1xi32> to vector<64x64xi32>
    %eq3A_122 = vector.broadcast %iota3A_120 : vector<1x64xi32> to vector<64x64xi32>
    %eq3A_123 = arith.cmpi eq, %eq3A_121, %eq3A_122 : vector<64x64xi32>
    %convert_element_type3A_124 = arith.extui %eq3A_123 : vector<64x64xi1> to vector<64x64xi32>
    %convert_element_type3A_125 = arith.sitofp %convert_element_type3A_124 : vector<64x64xi32> to vector<64x64xf32>
    %get3A_126 = arith.constant 384 : index
    %get3A_127 = arith.constant 0 : index
    %get3A_128 = vector.load %arg2[%get3A_126, %get3A_127] : memref<512x1024xf32, #tpu.memory_space<vmem>>, vector<64x1024xf32>
    %dot_general3A_129 = arith.constant dense<0.000000e+00> : vector<64x1024xf32>
    %dot_general3A_130 = tpu.matmul %convert_element_type3A_125, %get3A_1, %dot_general3A_129 {dimension_numbers = #tpu.dot_dimension_numbers<[1], [0], [0], [1], [0, 0, 1, 1], [], []>, transpose_lhs_hint = false} : vector<64x64xf32>, vector<64x1024xf32>, vector<64x1024xf32> -> vector<64x1024xf32>
    %add3A_131 = arith.addf %get3A_128, %dot_general3A_130 : vector<64x1024xf32>
    %swap3A_132 = arith.constant 384 : index
    %swap3A_133 = arith.constant 0 : index
    %swap3A_134 = vector.load %arg4[%swap3A_132, %swap3A_133] : memref<512x1024xf32, #tpu.memory_space<vmem>>, vector<64x1024xf32>
    tpu.vector_store %arg4[%swap3A_132, %swap3A_133], %add3A_131 {strides = array<i32>} : memref<512x1024xf32, #tpu.memory_space<vmem>>, vector<64x1024xf32>,
    %get3A_135 = arith.constant 7 : index
    %get3A_136 = arith.constant 0 : index
    %get3A_137 = vector.load %arg1[%get3A_135, %get3A_136] : memref<8x64xi32, #tpu.memory_space<vmem>>, vector<1x64xi32>
    %get3A_138 = vector.shape_cast %get3A_137 : vector<1x64xi32> to vector<64xi32>
    %broadcast_in_dim3A_139 = vector.shape_cast %get3A_138 : vector<64xi32> to vector<64x1xi32>
    %iota3A_140 = tpu.iota {dimensions = array<i32: 1>} : vector<1x64xi32>
    %eq3A_141 = vector.broadcast %broadcast_in_dim3A_139 : vector<64x1xi32> to vector<64x64xi32>
    %eq3A_142 = vector.broadcast %iota3A_140 : vector<1x64xi32> to vector<64x64xi32>
    %eq3A_143 = arith.cmpi eq, %eq3A_141, %eq3A_142 : vector<64x64xi32>
    %convert_element_type3A_144 = arith.extui %eq3A_143 : vector<64x64xi1> to vector<64x64xi32>
    %convert_element_type3A_145 = arith.sitofp %convert_element_type3A_144 : vector<64x64xi32> to vector<64x64xf32>
    %get3A_146 = arith.constant 448 : index
    %get3A_147 = arith.constant 0 : index
    %get3A_148 = vector.load %arg2[%get3A_146, %get3A_147] : memref<512x1024xf32, #tpu.memory_space<vmem>>, vector<64x1024xf32>
    %dot_general3A_149 = arith.constant dense<0.000000e+00> : vector<64x1024xf32>
    %dot_general3A_150 = tpu.matmul %convert_element_type3A_145, %get3A_1, %dot_general3A_149 {dimension_numbers = #tpu.dot_dimension_numbers<[1], [0], [0], [1], [0, 0, 1, 1], [], []>, transpose_lhs_hint = false} : vector<64x64xf32>, vector<64x1024xf32>, vector<64x1024xf32> -> vector<64x1024xf32>
    %add3A_151 = arith.addf %get3A_148, %dot_general3A_150 : vector<64x1024xf32>
    %swap3A_152 = arith.constant 448 : index
    %swap3A_153 = arith.constant 0 : index
    %swap3A_154 = vector.load %arg4[%swap3A_152, %swap3A_153] : memref<512x1024xf32, #tpu.memory_space<vmem>>, vector<64x1024xf32>
    tpu.vector_store %arg4[%swap3A_152, %swap3A_153], %add3A_151 {strides = array<i32>} : memref<512x1024xf32, #tpu.memory_space<vmem>>, vector<64x1024xf32>,
    return
  }
  func.func @transform_0(%arg0: i32) -> (i32, i32) {
    %add3A = arith.constant 1 : i32
    %add3A_0 = arith.addi %add3A, %arg0 : i32
    %c0_i32 = arith.constant 0 : i32
    %c0_i32_1 = arith.constant 0 : i32
    return %add3A_0, %c0_i32 : i32, i32
  }
  func.func @transform_1(%arg0: i32) -> (i32, i32) {
    %add3A = arith.constant 1 : i32
    %add3A_0 = arith.addi %add3A, %arg0 : i32
    %c0_i32 = arith.constant 0 : i32
    %c0_i32_1 = arith.constant 0 : i32
    return %add3A_0, %c0_i32 : i32, i32
  }
  func.func @transform_2(%arg0: i32) -> (i32, i32) {
    %c0_i32 = arith.constant 0 : i32
    %c0_i32_0 = arith.constant 0 : i32
    %c0_i32_1 = arith.constant 0 : i32
    return %c0_i32, %c0_i32_0 : i32, i32
  }
  func.func @transform_3(%arg0: i32) -> (i32, i32) {
    %add3A = arith.constant 1 : i32
    %add3A_0 = arith.addi %add3A, %arg0 : i32
    %c0_i32 = arith.constant 0 : i32
    %c0_i32_1 = arith.constant 0 : i32
    return %add3A_0, %c0_i32 : i32, i32
  }
}

</mosaic_0001>

<sc_bundles>
// kernel: kernel.4.cloned.1.call-start
scs
__scs_entry_jumppad:
0x0: {  	(pc) =	sbr.rel $0x88, $3  }
0x1: {  	(tag) =	ssettag $0x0;
	lr =	simm.s32 $0x1  }
0x2: {  	[smem:$0x3F9E] =	sst lr;
	_ =	strace $0xD0000000  }
0x3: {  	_ = 	snop  }
0x4: {  	_ = 	snop  }
0x5: {  	_ = 	snop  }
0x6: {  	_ = 	snop  }
0x7: {  	_ = 	snop  }
__scs_overlays_trampoline_lowered:
0x8: {  	[smem:$0x3FAD] =	sst s0  }
0x9: {  	[smem:$0x3FAE] =	sst s1  }
0xa: {  	[smem:$0x3FAF] =	sst s2  }
0xb: {  	[smem:$0x3FB0] =	sst s3  }
0xc: {  	[smem:$0x3FB1] =	sst s4  }
0xd: {  	[smem:$0x3FB2] =	sst s5  }
0xe: {  	[smem:$0x3FB3] =	sst s6  }
0xf: {  	[smem:$0x3FB4] =	sst s7  }
0x10: {  	[smem:$0x3FB5] =	sst s8  }
0x11: {  	[smem:$0x3FB6] =	sst s9;
	s0 =	simm.s32 @!p0 $0x0  }
0x12: {  	s1 =	sld [smem:$0x3F9C];
	s0 =	simm.s32 @p0 $0x1  }
0x13: {  	[smem:$0x3FB7] =	sst s0;
	s0 =	simm.s32 @!p1 $0x0  }
0x14: {  	s2 =	sld [smem:$0x3F9B];
	s0 =	simm.s32 @p1 $0x1  }
0x15: {  	[smem:$0x3FB8] =	sst s0;
	s0 =	simm.s32 @!p2 $0x0  }
0x16: {  	s3 =	sld [smem:$0x3FDB];
	s0 =	simm.s32 @p2 $0x1  }
0x17: {  	s4 =	simm.s32 $0x1BF5;
	[smem:$0x3FBA] =	sst s0  }
0x18: {  	s0 =	sld [smem:$0x3F9D];
	_ =	swait.ge [sflag:s4], $0x0  }
0x19: {  	s7 =	sld [smem:$0x3F9E]  }
0x1a: {  	s8 =	sadd.s32 $0xFFFFE003, lr  }
0x1b: {  	s9 =	sadd.s32 $0xFFFFFEF7, lr;
	s5 =	simm.s32 $0xFFFFFFFF;
	p2 =	slt.u32 s8, $0xFFFFF086  }
0x1c: {  	p1 =	slt.u32 s9, $0xF7A;
	s5 =	simm.s32 @!p2 $0x0  }
0x1d: {  	s5 =	simm.s32 @p1 $0x1;
	p0 =	seq.s32 s7, s2  }
0x1e: {  	s7 =	smul.u32 @!p0 $0xF7A, s2;
	p2 =	seq.s32 @!p0 s5, $0x0  }
0x1f: {  	s9 =	smul.u32 $0xF7A, s1;
	s8 =	simm.s32 @!p0 $0x1BF5;
	p2 =	por !p2, p0  }
0x20: {  	[sflag:s8] =	ssyncset.s32 @!p0 $0xFFFFF086;
	s6 =	sadd.s32 @!p0 s3, s7;
	s7 =	simm.s32 @!p0 $0x108  }
0x21: {  	s3 =	sadd.s32 s3, s9;
	s6 =	sadd.s32 @!p0 $0x88, s6;
	s7 =	simm.s32 @p2 $0x1082  }
0x22: {  	[simem:s7], [sflag:s8] =	dma.local @!p0 [hbm:s6], $0xF7A  }
0x23: {  	s9 =	sor.u32 $0xD0000000, s2;
	s6 =	simm.s32 $0x108;
	_ =	swait.ge @!p0 [sflag:s8], $0x0  }
0x24: {  	s3 =	sadd.s32 $0x88, s3;
	s6 =	simm.s32 @!p1 $0x1082;
	[sflag:s4] =	ssyncset.s32 $0xFFFFF086  }
0x25: {  	[simem:s6], [sflag:s4] =	dma.local [hbm:s3], $0xF7A  }
0x26: {  	[smem:$0x3F9E] =	sst s1;
	(tag) =	ssettag s2;
	_ =	strace s9  }
0x27: {  	s1 =	sld [smem:$0x3FAE]  }
0x28: {  	s2 =	sld [smem:$0x3FAF]  }
0x29: {  	s4 =	sld [smem:$0x3FB1]  }
0x2a: {  	p0 =	seq.s32 s5, $0x0;
	s5 =	sld [smem:$0x3FB2]  }
0x2b: {  	s6 =	sld [smem:$0x3FB3]  }
0x2c: {  	s7 =	sld [smem:$0x3FB4]  }
0x2d: {  	s3 =	simm.s32 $0x108;
	s8 =	sld [smem:$0x3FB5]  }
0x2e: {  	s3 =	simm.s32 @!p0 $0x1082;
	s9 =	sld [smem:$0x3FB6]  }
0x2f: {  	lr =	sadd.s32 s0, s3;
	s0 =	sld [smem:$0x3FAD]  }
0x30: {  	s3 =	sld [smem:$0x3FB0]  }
0x31: {  	[smem:$0x3FB9] =	sst s10  }
0x32: {  	s10 =	sld [smem:$0x3FB7];
	_ =	sdelay $0x3  }
0x33: {  	p0 =	seq.s32 s10, $0x1;
	s10 =	sld [smem:$0x3FB9];
	_ =	sdelay $0x3  }
0x34: {  	[smem:$0x3FB9] =	sst s10  }
0x35: {  	s10 =	sld [smem:$0x3FB8];
	_ =	sdelay $0x3  }
0x36: {  	p1 =	seq.s32 s10, $0x1;
	s10 =	sld [smem:$0x3FB9];
	_ =	sdelay $0x3  }
0x37: {  	[smem:$0x3FB9] =	sst s10  }
0x38: {  	s10 =	sld [smem:$0x3FBA]  }
0x39: {  	_ = 	snop;
	(pc) =	sbr.ind lr, $3  }
0x3a: {  	_ = 	snop  }
0x3b: {  	_ = 	snop  }
0x3c: {  	p2 =	seq.s32 s10, $0x1;
	s10 =	sld [smem:$0x3FB9]  }
0x3d: {  	_ =	shalt  }
0x3e: {  	_ =	shalt  }
0x3f: {  	_ =	shalt  }
0x40: {  	_ =	shalt  }
0x41: {  	_ =	shalt  }
0x42: {  	_ =	shalt  }
0x43: {  	_ =	shalt  }
0x44: {  	_ =	shalt  }
0x45: {  	_ =	shalt  }
0x46: {  	_ =	shalt  }
0x47: {  	_ =	shalt  }
0x48: {  	_ =	shalt  }
0x49: {  	_ =	shalt  }
0x4a: {  	_ =	shalt  }
0x4b: {  	_ =	shalt  }
0x4c: {  	_ =	shalt  }
0x4d: {  	_ =	shalt  }
0x4e: {  	_ =	shalt  }
0x4f: {  	_ =	shalt  }
0x50: {  	_ =	shalt  }
0x51: {  	_ =	shalt  }
0x52: {  	_ =	shalt  }
0x53: {  	_ =	shalt  }
0x54: {  	_ =	shalt  }
0x55: {  	_ =	shalt  }
0x56: {  	_ =	shalt  }
0x57: {  	_ =	shalt  }
0x58: {  	_ =	shalt  }
0x59: {  	_ =	shalt  }
0x5a: {  	_ =	shalt  }
0x5b: {  	_ =	shalt  }
0x5c: {  	_ =	shalt  }
0x5d: {  	_ =	shalt  }
0x5e: {  	_ =	shalt  }
0x5f: {  	_ =	shalt  }
0x60: {  	_ =	shalt  }
0x61: {  	_ =	shalt  }
0x62: {  	_ =	shalt  }
0x63: {  	_ =	shalt  }
0x64: {  	_ =	shalt  }
0x65: {  	_ =	shalt  }
0x66: {  	_ =	shalt  }
0x67: {  	_ =	shalt  }
0x68: {  	_ =	shalt  }
0x69: {  	_ =	shalt  }
0x6a: {  	_ =	shalt  }
0x6b: {  	_ =	shalt  }
0x6c: {  	_ =	shalt  }
0x6d: {  	_ =	shalt  }
0x6e: {  	_ =	shalt  }
0x6f: {  	_ =	shalt  }
0x70: {  	_ =	shalt  }
0x71: {  	_ =	shalt  }
0x72: {  	_ =	shalt  }
0x73: {  	_ =	shalt  }
0x74: {  	_ =	shalt  }
0x75: {  	_ =	shalt  }
0x76: {  	_ =	shalt  }
0x77: {  	_ =	shalt  }
0x78: {  	_ =	shalt  }
0x79: {  	_ =	shalt  }
0x7a: {  	_ =	shalt  }
0x7b: {  	_ =	shalt  }
0x7c: {  	_ =	shalt  }
0x7d: {  	_ =	shalt  }
0x7e: {  	_ =	shalt  }
0x7f: {  	_ =	shalt  }
0x80: {  	_ =	shalt  }
0x81: {  	_ =	shalt  }
0x82: {  	_ =	shalt  }
0x83: {  	_ =	shalt  }
0x84: {  	_ =	shalt  }
0x85: {  	_ =	shalt  }
0x86: {  	_ =	shalt  }
0x87: {  	_ =	shalt  }
.Lfunc_end0:
.L_simem_size_0:
called_computation_lowered:
.L_overlay_start_0:
0x88: {  	s2 =	sld [smem:$0x3FD9]  }
0x89: {  	s3 =	sld [smem:$0x3FFE];
	_ =	sdelay $0x1  }
0x8a: {  	s1 =	srdreg.scid  }
0x8b: {  	s0 =	sand.u32 $0x1, s1  }
0x8c: {  	s17 =	sshll.u32 s0, $0xA;
	s2 =	sadd.s32 s3, s2  }
0x8d: {  	s2 =	sadd.s32 s2, s17  }
0x8e: {  	[smem:$0x3FC5] =	sst s2  }
0x8f: {  	_ = 	snop  }
0x90: {  	s2 =	sld [smem:$0x3FC9]  }
0x91: {  	s18 =	sld [smem:$0x3FC8]  }
0x92: {  	s4 =	sld [smem:$0x3FC7];
	(tm) =	ssettm $0x1  }
0x93: {  	s5 =	sld [smem:$0x3FFB];
	_ =	sdelay $0x3  }
0x94: {  	_ =	strace s5  }
0x95: {  	s5 =	sld [smem:$0x3FFC];
	_ =	sdelay $0x3  }
0x96: {  	_ =	strace s5  }
0x97: {  	s5 =	sld [smem:$0x3FFD];
	_ =	sdelay $0x3  }
0x98: {  	_ =	strace s5  }
0x99: {  	_ =	strace $0x8FFFFFFF  }
0x9a: {  	s19 =	sld [smem:$0x3FDB];
	_ =	sdelay $0x1  }
0x9b: {  	s6 =	simm.s32 $_scs_section_size  }
0x9c: {  	s7 =	simm.s32 $_size__tile_overlayer_lowered;
	s8 =	simm.s32 $_tile_overlayer_lowered  }
0x9d: {  	s22 =	simm.s32 $0x1BFF;
	s21 =	sshll.u32 s8, $0x1;
	s5 =	sadd.s32 s6, s19  }
0x9e: {  	s9 =	simm.s32 $0x0;
	s20 =	sshll.u32 s7, $0x1;
	s7 =	sadd.s32 s21, s5  }
0x9f: {  	[timem:s9], [sflag:s22] =	dma.local [hbm:s7], s20  }
0xa0: {  	_ =	swait.ge [sflag:s22], s20  }
0xa1: {  	s6 =	ssub.s32 $0x0, s20;
	[sflag:s22] =	ssyncset.done $0x0  }
0xa2: {  	[sflag:s22] =	ssyncadd.s32 s6;
	_ =	sdelay $0x1  }
0xa3: {  	s23 =	simm.s32 $0x1B8B  }
0xa4: {  	_ =	swait.ge [sflag:s23], $0x1  }
0xa5: {  	[sflag:s23] =	ssyncset.done $0x0  }
0xa6: {  	s25 =	simm.s32 $0x1B8E;
	s24 =	sld [smem:$0x3FFE];
	[sflag:s23] =	ssyncadd.s32 $0xFFFFFFFF  }
0xa7: {  	s26 =	simm.s32 $execute0_lowered;
	[smem:$0x3FD2] =	sst s25  }
0xa8: {  	s7 =	sshll.u32 s26, $0x1;
	_ =	strace $0x80000046;
	[dreg:$0x1] =	wrdreg $0xFFFFFFFF  }
0xa9: {  	s28 =	simm.s32 $_size_execute0_lowered;
	s5 =	sadd.s32 s5, s7;
	[dreg:$0x0] =	wrdreg $0x0  }
0xaa: {  	s7 =	sshll.u32 s28, $0x1;
	[dreg:$0x2] =	wrdreg s5  }
0xab: {  	[dreg:$0x3] =	wrdreg s7  }
0xac: {  	[dreg:$0x4] =	wrdreg $0xC0  }
0xad: {  	_ =	task [dreg:s9], $0x5FFFF  }
0xae: {  	[dreg:$0x1] =	wrdreg $0xFFFFFFFF  }
0xaf: {  	[dreg:$0x0] =	wrdreg $0x60  }
0xb0: {  	[dreg:$0x2] =	wrdreg s2  }
0xb1: {  	[dreg:$0x3] =	wrdreg s18  }
0xb2: {  	[dreg:$0x4] =	wrdreg s4  }
0xb3: {  	[dreg:$0x5] =	wrdreg s24  }
0xb4: {  	[dreg:$0x6] =	wrdreg $0x800  }
0xb5: {  	[dreg:$0x7] =	wrdreg $0x9  }
0xb6: {  	_ =	task.clear_ibuf [dreg:s9], $0x8FFFF;
	_ =	strace $0x90000046  }
0xb7: {  	s29 =	simm.s32 $0x9;
	_ =	strace $0x80000048  }
0xb8: {  	_ =	swait.ge [sflag:s29], $0x1  }
0xb9: {  	[sflag:s29] =	ssyncadd.s32 $0xFFFFFFFF  }
0xba: {  	_ =	strace $0x90000048  }
0xbb: {  	_ =	sfence  }
0xbc: {  	s30 =	sld [smem:$0x0];
	_ =	sdelay $0x2  }
0xbd: {  	s31 =	sshll.u32 s1, $0xD;
	s1 =	sshrl.u32 s1, $0x2  }
0xbe: {  	s3 =	sand.u32 $0x4000, s31;
	s1 =	sadd.s32 s1, s30  }
0xbf: {  	s0 =	sor.u32 s3, s0;
	s1 =	sshll.u32 s1, $0x11  }
0xc0: {  	s0 =	sor.u32 s1, s0  }
0xc1: {  	s0 =	sadd.s32 $0x8F2B, s0  }
0xc2: {  	[sflag:s0] =	ssyncadd.remote.s32 $0x1  }
0xc3: {  	_ =	sfence.sel $0xFFFF  }
0xc4: {  	[dreg:$0x0] =	wrdreg $0xFFFFFFFF;
	(pc) =	sbr.abs _section_cstart, $3  }
0xc5: {  	[dreg:$0x1] =	wrdreg $0xFFFFFFFF  }
0xc6: {  	_ =	task.clear_ibuf [dreg:s9], $0x2FFFF;
	_ =	strace $0x9FFFFFFF  }
0xc7: {  	(tm) =	ssettm $0x7FFFFFFF  }
tec
execute0_lowered:
.L_overlay_start_1:
0x0: {  	(tag) =	ssettag $0x1  }
0x1: {  	s5 =	rddreg [dreg:$0x0]  }
0x2: {  	s4 =	rddreg [dreg:$0x1]  }
0x3: {  	s6 =	rddreg [dreg:$0x3]  }
0x4: {  	s0 =	rddreg [dreg:$0x4];
	s7 =	srdreg.scid  }
0x5: {  	s3 =	simm.s32 $0x0;
	s8 =	stileid.u32;
	s2 =	simm.s32 $0x11080  }
0x6: {  	s13 =	simm.s32 $0x2;
	s14 =	simm.s32 $0x0;
	s7 =	sand.u32 $0x1, s7  }
0x7: {  	[smem:$0x7FF] =	sst s3;
	s9 =	sshll.u32 s8, $0x5;
	s28 =	sshll.u32 s8, $0x6  }
0x8: {  	p0 =	sne.s32 s8, $0x0;
	s10 =	sshll.u32 s7, $0x4;
	_ =	strace $0x80000047  }
0x9: {  	s7 =	ssub.s32 $0x2, s7;
	s9 =	sor.u32 s10, s9;
	s10 =	sand.u32 $0x380, s28  }
0xa: {  	s12 =	sshrl.u32 s7, $0x1;
	s11 =	sand.u32 $0x30, s9;
	s9 =	sshll.u32 s9, $0x7  }
0xb: {  	s7 =	ssub.s32 s7, s12;
	s10 =	sor.u32 s10, s11;
	s29 =	sadd.s32 s5, s9  }
0xc: {  	s6 =	sadd.s32 s9, s6;
	s31 =	smax.u32 s7, $0x1;
	[dreg:$0x17] =	wrdreg s29  }
0xd: {  	s10 =	sshrl.u32 s10, $0x3;
	s30 =	sadd.s32 $0xA00, s6;
	[dreg:$0x19] =	wrdreg s31  }
0xe: {  	s8 =	simm.s32 $0x3;
	s1 =	sadd.s32 s4, s10;
	[dreg:$0x18] =	wrdreg s30  }
0xf: {  	s12 =	simm.s32 $0x1;
	s9 =	sshrl.u32 @!p0 s0, $0x3;
	[dreg:$0x16] =	wrdreg s1  }
.LBB2_1:
0x10: {  	s0 =	rddreg [dreg:$0x16]  }
0x11: {  	[tilespmem:s3], [sflag:$0x3] =	stream.linear.gather [hbm4b:s0+s3], $0x10, $0x38;
	[tilespmem:$0x15080] =	vst v63  }
0x12: {  	_ =	swait.ge [sflag:s8], $0x10  }
0x13: {  	[sflag:s8] =	ssyncset.done $0x0  }
0x14: {  	[sflag:s8] =	ssyncadd.s32 $0xFFFFFFF0  }
0x15: {  	s15 =	simm.s32 @!p0 $0x1C03;
	s0 =	rddreg [dreg:$0x2]  }
0x16: {  	[spmem:s9], [sflag:s15] =	dma.local @!p0 [hbm:s0], $0x2000  }
0x17: {  	s15 =	simm.s32 @!p0 $0x3  }
0x18: {  	_ =	swait.ge @!p0 [sflag:s15], $0x2000  }
0x19: {  	[sflag:s15] =	ssyncset.done @!p0 $0x0  }
0x1a: {  	[sflag:s15] =	ssyncadd.s32 @!p0 $0xFFFFE000  }
0x1b: {  	[bflag:$0x0] =	sbarrier.arrive $0xFFFF  }
0x1c: {  	s1 =	simm.s32 $0x1080;
	s18 =	rddreg [dreg:$0x4]  }
0x1d: {  	[tilespmem:s1], [sflag:$0x3] =	stream.linear.gather [spmem:s18], $0x10000, $0x38;
	[tilespmem:$0x15080] =	vst v63  }
0x1e: {  	_ =	swait.ge [sflag:s8], $0x10000  }
0x1f: {  	[sflag:s8] =	ssyncset.done $0x0  }
0x20: {  	s19 =	rddreg [dreg:$0x17];
	[sflag:s8] =	ssyncadd.s32 $0xFFFF0000  }
0x21: {  	[tilespmem:s2], [sflag:$0x1] =	stream.linear.gather [hbm4b:s19+s3], $0x4000, $0x38;
	[tilespmem:$0x15080] =	vst v63  }
0x22: {  	_ =	swait.ge [sflag:s12], $0x4000  }
0x23: {  	[sflag:s12] =	ssyncset.done $0x0  }
0x24: {  	[sflag:s12] =	ssyncadd.s32 $0xFFFFC000  }
0x25: {  	v0 =	vld [tilespmem:$0x0];
	_ =	sdelay $0x4  }
0x26: {  	(v2sf) =	vpush v0, $0x0;
	_ =	sdelay $0x1  }
0x27: {  	(v2sf) =	vpush v0, $0x1  }
0x28: {  	(v2sf) =	vpush v0, $0x2;
	_ =	sdelay $0x2  }
0x29: {  	(v2sf) =	vpush v0, $0x3;
	_ =	sdelay $0x8  }
0x2a: {  	s20 =	spop (v2sf)  }
0x2b: {  	s1 =	sand.u32 $0x1C00, s3;
	s16 =	sshll.u32 s20, $0xA  }
0x2c: {  	s15 =	sshll.u32 s20, $0x7;
	s17 =	spop (v2sf);
	s16 =	sand.u32 $0xFFFFE000, s16  }
0x2d: {  	s15 =	sand.u32 $0x380, s15;
	s18 =	spop (v2sf);
	s21 =	sshll.u32 s17, $0xA  }
0x2e: {  	s17 =	sshll.u32 s17, $0x7;
	s15 =	sor.u32 s15, s16;
	s16 =	sand.u32 $0xFFFFE000, s21  }
0x2f: {  	s17 =	sand.u32 $0x380, s17;
	s19 =	sshll.u32 s18, $0xA;
	s18 =	sshll.u32 s18, $0x7  }
0x30: {  	s25 =	spop (v2sf);
	s15 =	sadd.s32 $0x1080, s15;
	s16 =	sor.u32 s17, s16  }
0x31: {  	s22 =	sand.u32 $0xFFFFE000, s19;
	s18 =	sand.u32 $0x380, s18;
	s29 =	sshll.u32 s25, $0xA  }
0x32: {  	s17 =	sshll.u32 s25, $0x7;
	[dreg:$0x6] =	wrdreg s15;
	s23 =	sadd.s32 $0x1080, s16  }
0x33: {  	s24 =	sor.u32 s18, s22;
	s31 =	sand.u32 $0xFFFFE000, s29;
	s0 =	sand.u32 $0x380, s17  }
0x34: {  	s16 =	sand.u32 $0x40, s3;
	[dreg:$0x7] =	wrdreg s23;
	s26 =	sadd.s32 $0x1080, s24  }
0x35: {  	s30 =	rddreg [dreg:$0x6];
	s15 =	sor.u32 s0, s31;
	s20 =	sor.u32 $0x30, s16  }
0x36: {  	[dreg:$0x8] =	wrdreg s26;
	s15 =	sadd.s32 $0x1080, s15;
	s18 =	sadd.s32 s1, s30  }
0x37: {  	[dreg:$0x9] =	wrdreg s15;
	s2 =	sadd.s32 s20, s18  }
0x38: {  	s4 =	sadd.s32 s16, s18;
	v1 =	vld [tilespmem:s2+$0x0]  }
0x39: {  	s22 =	sor.u32 $0x10, s16;
	v2 =	vld [tilespmem:s4+$0x0]  }
0x3a: {  	s19 =	sor.u32 $0x20, s16;
	s23 =	sadd.s32 s22, s18  }
0x3b: {  	s6 =	sadd.s32 $0x11080, s1;
	s5 =	sadd.s32 s19, s18;
	v3 =	vld [tilespmem:s23+$0x0]  }
0x3c: {  	s21 =	rddreg [dreg:$0x7];
	s24 =	sor.u32 s20, s6;
	v4 =	vld [tilespmem:s5+$0x0]  }
0x3d: {  	s25 =	sor.u32 s16, s6;
	s21 =	sadd.s32 s1, s21;
	[tilespmem:s24+$0x0] =	vst.add.f32.msk $0xffff, v1  }
0x3e: {  	s7 =	sadd.s32 s20, s21;
	[tilespmem:s25+$0x0] =	vst.add.f32.msk $0xffff, v2  }
0x3f: {  	s18 =	sor.u32 s22, s6;
	v1 =	vld [tilespmem:s7+$0x0]  }
0x40: {  	s15 =	sor.u32 s19, s6;
	s26 =	rddreg [dreg:$0x8];
	[tilespmem:s18+$0x0] =	vst.add.f32.msk $0xffff, v3  }
0x41: {  	s10 =	sadd.s32 s16, s21;
	[tilespmem:s15+$0x0] =	vst.add.f32.msk $0xffff, v4  }
0x42: {  	s28 =	sadd.s32 s22, s21;
	v2 =	vld [tilespmem:s10+$0x0]  }
0x43: {  	s21 =	sadd.s32 s19, s21;
	v3 =	vld [tilespmem:s28+$0x0]  }
0x44: {  	s11 =	sadd.s32 s1, s26;
	v4 =	vld [tilespmem:s21+$0x0]  }
0x45: {  	s26 =	sadd.s32 s20, s11;
	[tilespmem:s24+$0x80] =	vst.add.f32.msk $0xffff, v1  }
0x46: {  	v1 =	vld [tilespmem:s26+$0x0]  }
0x47: {  	s29 =	rddreg [dreg:$0x9];
	[tilespmem:s25+$0x80] =	vst.add.f32.msk $0xffff, v2  }
0x48: {  	[tilespmem:s18+$0x80] =	vst.add.f32.msk $0xffff, v3  }
0x49: {  	s30 =	sadd.s32 s16, s11;
	[tilespmem:s15+$0x80] =	vst.add.f32.msk $0xffff, v4  }
0x4a: {  	s2 =	sadd.s32 s19, s11;
	v2 =	vld [tilespmem:s30+$0x0]  }
0x4b: {  	s26 =	sadd.s32 s1, s29;
	s1 =	sadd.s32 s22, s11;
	v4 =	vld [tilespmem:s2+$0x0]  }
0x4c: {  	s31 =	sor.u32 $0x100, s24;
	v3 =	vld [tilespmem:s1+$0x0]  }
0x4d: {  	s0 =	sadd.s32 s20, s26;
	[tilespmem:s31+$0x0] =	vst.add.f32.msk $0xffff, v1  }
0x4e: {  	s4 =	sor.u32 $0x100, s25;
	v1 =	vld [tilespmem:s0+$0x0]  }
0x4f: {  	s7 =	sor.u32 $0x100, s15;
	[tilespmem:s4+$0x0] =	vst.add.f32.msk $0xffff, v2  }
0x50: {  	s17 =	simm.s32 $0x40;
	s16 =	sadd.s32 s16, s26;
	[tilespmem:s7+$0x0] =	vst.add.f32.msk $0xffff, v4  }
0x51: {  	s5 =	rddreg [dreg:$0x6];
	s6 =	sor.u32 $0x100, s18;
	v2 =	vld [tilespmem:s16+$0x0];
	s16 =	simm.s32 $0x200  }
0x52: {  	s21 =	sand.u32 $0x40, s17;
	s22 =	sadd.s32 s22, s26;
	[tilespmem:s6+$0x0] =	vst.add.f32.msk $0xffff, v3;
	s10 =	sand.u32 $0x1C00, s16  }
0x53: {  	s23 =	sor.u32 $0x30, s21;
	v3 =	vld [tilespmem:s22+$0x0];
	s20 =	sadd.s32 s10, s5  }
0x54: {  	s11 =	sadd.s32 s23, s20;
	[tilespmem:s24+$0x180] =	vst.add.f32.msk $0xffff, v1  }
0x55: {  	s29 =	sadd.s32 s21, s20;
	v4 =	vld [tilespmem:s11+$0x0]  }
0x56: {  	s19 =	sadd.s32 s19, s26;
	v5 =	vld [tilespmem:s29+$0x0]  }
0x57: {  	s26 =	sor.u32 $0x10, s21;
	v1 =	vld [tilespmem:s19+$0x0]  }
0x58: {  	s0 =	sadd.s32 $0x11080, s10;
	s31 =	sadd.s32 s26, s20;
	[tilespmem:s25+$0x180] =	vst.add.f32.msk $0xffff, v2  }
0x59: {  	s30 =	rddreg [dreg:$0x7];
	s28 =	sor.u32 s23, s0;
	v2 =	vld [tilespmem:s31+$0x0]  }
0x5a: {  	s22 =	sadd.s32 s10, s30;
	s30 =	sor.u32 $0x20, s21;
	s19 =	sor.u32 s21, s0;
	[tilespmem:s28+$0x0] =	vst.add.f32.msk $0xffff, v4  }
0x5b: {  	s20 =	sadd.s32 s30, s20;
	[tilespmem:s19+$0x0] =	vst.add.f32.msk $0xffff, v5  }
0x5c: {  	s29 =	sadd.s32 s23, s22;
	v5 =	vld [tilespmem:s20+$0x0]  }
0x5d: {  	v4 =	vld [tilespmem:s29+$0x0]  }
0x5e: {  	[tilespmem:s18+$0x180] =	vst.add.f32.msk $0xffff, v3;
	s18 =	sor.u32 s26, s0  }
0x5f: {  	s2 =	sadd.s32 s21, s22;
	s1 =	rddreg [dreg:$0x8];
	[tilespmem:s18+$0x0] =	vst.add.f32.msk $0xffff, v2  }
0x60: {  	s20 =	sor.u32 s30, s0;
	v2 =	vld [tilespmem:s2+$0x0]  }
0x61: {  	[tilespmem:s20+$0x0] =	vst.add.f32.msk $0xffff, v5  }
0x62: {  	s5 =	sadd.s32 s26, s22;
	[tilespmem:s28+$0x80] =	vst.add.f32.msk $0xffff, v4  }
0x63: {  	s22 =	sadd.s32 s30, s22;
	s4 =	sadd.s32 s10, s1;
	v4 =	vld [tilespmem:s5+$0x0]  }
0x64: {  	s31 =	sadd.s32 s23, s4;
	v5 =	vld [tilespmem:s22+$0x0]  }
0x65: {  	v3 =	vld [tilespmem:s31+$0x0]  }
0x66: {  	s7 =	sadd.s32 s21, s4;
	s6 =	rddreg [dreg:$0x9];
	[tilespmem:s19+$0x80] =	vst.add.f32.msk $0xffff, v2  }
0x67: {  	v2 =	vld [tilespmem:s7+$0x0]  }
0x68: {  	[tilespmem:s18+$0x80] =	vst.add.f32.msk $0xffff, v4  }
0x69: {  	s24 =	sadd.s32 s10, s6;
	s10 =	sor.u32 $0x100, s28;
	[tilespmem:s20+$0x80] =	vst.add.f32.msk $0xffff, v5  }
0x6a: {  	s11 =	sadd.s32 s23, s24;
	s23 =	sadd.s32 s26, s4;
	[tilespmem:s10+$0x0] =	vst.add.f32.msk $0xffff, v3  }
0x6b: {  	v4 =	vld [tilespmem:s23+$0x0]  }
0x6c: {  	s25 =	sadd.s32 s30, s4;
	v6 =	vld [tilespmem:s11+$0x0]  }
0x6d: {  	s29 =	sor.u32 $0x100, s19;
	v3 =	vld [tilespmem:s25+$0x0]  }
0x6e: {  	s21 =	sadd.s32 s21, s24;
	[tilespmem:s29+$0x0] =	vst.add.f32.msk $0xffff, v2  }
0x6f: {  	s31 =	sor.u32 $0x100, s18;
	v2 =	vld [tilespmem:s21+$0x0]  }
0x70: {  	s22 =	sadd.s32 s26, s24;
	[tilespmem:s31+$0x0] =	vst.add.f32.msk $0xffff, v4  }
0x71: {  	s23 =	sadd.s32 s30, s24;
	s21 =	simm.s32 $0x4;
	[tilespmem:s28+$0x180] =	vst.add.f32.msk $0xffff, v6;
	s28 =	sor.u32 $0x100, s20  }
.LBB2_2:
0x72: {  	_ =	sdelay $0x1  }
0x73: {  	[tilespmem:s28+$0x0] =	vst.add.f32.msk $0xffff, v3  }
0x74: {  	s16 =	sadd.s32 $0x200, s16;
	v3 =	vld [tilespmem:s22+$0x0]  }
0x75: {  	s25 =	rddreg [dreg:$0x6];
	s17 =	sadd.s32 $0x40, s17;
	s24 =	sand.u32 $0x1C00, s16;
	[tilespmem:s19+$0x180] =	vst.add.f32.msk $0xffff, v2  }
0x76: {  	s22 =	sand.u32 $0x40, s17;
	s28 =	sadd.s32 s24, s25;
	v4 =	vld [tilespmem:s23+$0x0]  }
0x77: {  	s23 =	sor.u32 $0x30, s22;
	s31 =	sadd.s32 s22, s28;
	[tilespmem:s15+$0x180] =	vst.add.f32.msk $0xffff, v1  }
0x78: {  	s25 =	sor.u32 $0x10, s22;
	s29 =	sadd.s32 s23, s28;
	v5 =	vld [tilespmem:s31+$0x0]  }
0x79: {  	s30 =	sadd.s32 s25, s28;
	v2 =	vld [tilespmem:s29+$0x0]  }
0x7a: {  	s26 =	sor.u32 $0x20, s22;
	v6 =	vld [tilespmem:s30+$0x0]  }
0x7b: {  	s1 =	sadd.s32 $0x11080, s24;
	s28 =	sadd.s32 s26, s28;
	[tilespmem:s18+$0x180] =	vst.add.f32.msk $0xffff, v3  }
0x7c: {  	s19 =	sor.u32 s22, s1;
	v1 =	vmov v4;
	v4 =	vld [tilespmem:s28+$0x0]  }
0x7d: {  	s0 =	rddreg [dreg:$0x7];
	s30 =	sor.u32 s23, s1;
	[tilespmem:s19+$0x0] =	vst.add.f32.msk $0xffff, v5  }
0x7e: {  	s18 =	sor.u32 s25, s1;
	s28 =	sadd.s32 s24, s0;
	[tilespmem:s30+$0x0] =	vst.add.f32.msk $0xffff, v2  }
0x7f: {  	s2 =	sadd.s32 s23, s28;
	[tilespmem:s18+$0x0] =	vst.add.f32.msk $0xffff, v6  }
0x80: {  	s31 =	sadd.s32 s22, s28;
	v2 =	vld [tilespmem:s2+$0x0]  }
0x81: {  	s15 =	smov.u32 s20;
	s20 =	sor.u32 s26, s1;
	v3 =	vld [tilespmem:s31+$0x0]  }
0x82: {  	s0 =	sadd.s32 s25, s28;
	[tilespmem:s20+$0x0] =	vst.add.f32.msk $0xffff, v4  }
0x83: {  	s4 =	rddreg [dreg:$0x8];
	s1 =	sadd.s32 s26, s28;
	v4 =	vld [tilespmem:s0+$0x0]  }
0x84: {  	s29 =	sadd.s32 s24, s4;
	v5 =	vld [tilespmem:s1+$0x0]  }
0x85: {  	s4 =	sadd.s32 s23, s29;
	[tilespmem:s30+$0x80] =	vst.add.f32.msk $0xffff, v2  }
0x86: {  	v2 =	vld [tilespmem:s4+$0x0]  }
0x87: {  	s5 =	sadd.s32 s22, s29;
	[tilespmem:s19+$0x80] =	vst.add.f32.msk $0xffff, v3  }
0x88: {  	v63 =	vld [tilespmem:s5+$0x0]  }
0x89: {  	s6 =	rddreg [dreg:$0x9];
	s11 =	sadd.s32 s25, s29;
	[tilespmem:s18+$0x80] =	vst.add.f32.msk $0xffff, v4  }
0x8a: {  	s7 =	sadd.s32 s24, s6;
	s24 =	sor.u32 $0x100, s30;
	v4 =	vld [tilespmem:s11+$0x0]  }
0x8b: {  	s31 =	sadd.s32 s23, s7;
	[tilespmem:s24+$0x0] =	vst.add.f32.msk $0xffff, v2  }
0x8c: {  	s21 =	sadd.s32 $0x4, s21;
	v2 =	vld [tilespmem:s31+$0x0]  }
0x8d: {  	p1 =	slt.u32 s21, $0x3C;
	s29 =	sadd.s32 s26, s29;
	[tilespmem:s20+$0x80] =	vst.add.f32.msk $0xffff, v5  }
.Ltmp0:
0x8e: {  	s10 =	sor.u32 $0x100, s19;
	v3 =	vld [tilespmem:s29+$0x0];
	(pc) =	sbr.rel @p1 .LBB2_2-.Ltmp0, $4  }
0x8f: {  	s2 =	sor.u32 $0x100, s18;
	[tilespmem:s10+$0x0] =	vst.add.f32.msk $0xffff, v63  }
0x90: {  	[tilespmem:s2+$0x0] =	vst.add.f32.msk $0xffff, v4  }
0x91: {  	s4 =	sadd.s32 s22, s7;
	[tilespmem:s30+$0x180] =	vst.add.f32.msk $0xffff, v2  }
0x92: {  	s28 =	sor.u32 $0x100, s20;
	s23 =	sadd.s32 s26, s7;
	s22 =	sadd.s32 s25, s7;
	v2 =	vld [tilespmem:s4+$0x0]  }
0x93: {  	(v2sf) =	vpush v0, $0x4  }
0x94: {  	(v2sf) =	vpush v0, $0x5  }
0x95: {  	(v2sf) =	vpush v0, $0x6;
	_ =	sdelay $0x2  }
0x96: {  	(v2sf) =	vpush v0, $0x7;
	_ =	sdelay $0x8  }
0x97: {  	[tilespmem:s28+$0x0] =	vst.add.f32.msk $0xffff, v3  }
0x98: {  	v3 =	vld [tilespmem:s22+$0x0];
	p1 =	por $0x0, $0x0;
	s0 =	spop (v2sf)  }
0x99: {  	v4 =	vld [tilespmem:s23+$0x0];
	s1 =	sshll.u32 s0, $0xA;
	s0 =	sshll.u32 s0, $0x7;
	s2 =	spop (v2sf)  }
0x9a: {  	s1 =	sand.u32 $0xFFFFE000, s1;
	s0 =	sand.u32 $0x380, s0;
	s4 =	spop (v2sf)  }
0x9b: {  	[tilespmem:s15+$0x180] =	vst.add.f32.msk $0xffff, v1;
	s10 =	sshll.u32 s2, $0xA;
	s2 =	sshll.u32 s2, $0x7;
	s0 =	sor.u32 s0, s1  }
0x9c: {  	[tilespmem:s19+$0x180] =	vst.add.f32.msk $0xffff, v2;
	s11 =	sand.u32 $0xFFFFE000, s10;
	s15 =	sand.u32 $0x380, s2;
	s16 =	sshll.u32 s4, $0xA  }
0x9d: {  	[tilespmem:s18+$0x180] =	vst.add.f32.msk $0xffff, v3;
	s17 =	sshll.u32 s4, $0x7;
	s18 =	spop (v2sf);
	s0 =	sadd.s32 $0x1080, s0  }
0x9e: {  	[tilespmem:s20+$0x180] =	vst.add.f32.msk $0xffff, v4;
	s1 =	sand.u32 $0xFFFFE000, s16;
	s2 =	sand.u32 $0x380, s17;
	s20 =	sshll.u32 s18, $0xA  }
0x9f: {  	s21 =	sshll.u32 s18, $0x7;
	[dreg:$0xa] =	wrdreg s0;
	s0 =	sor.u32 s15, s11  }
0xa0: {  	s19 =	sor.u32 s2, s1;
	s1 =	sand.u32 $0xFFFFE000, s20;
	s2 =	sand.u32 $0x380, s21  }
0xa1: {  	s15 =	simm.s32 $0x0;
	s0 =	sadd.s32 $0x1080, s0;
	s22 =	rddreg [dreg:$0xa]  }
0xa2: {  	s23 =	sor.u32 s2, s1;
	s16 =	sand.u32 $0x40, s15;
	s1 =	sand.u32 $0x1C00, s15  }
0xa3: {  	[dreg:$0xb] =	wrdreg s0;
	s0 =	sadd.s32 $0x1080, s19;
	s24 =	sadd.s32 s1, s22  }
0xa4: {  	s2 =	sor.u32 $0x30, s16;
	[dreg:$0xc] =	wrdreg s0;
	s0 =	sadd.s32 $0x1080, s23  }
0xa5: {  	s10 =	simm.s32 $0x1;
	s4 =	sadd.s32 s2, s24;
	[dreg:$0xd] =	wrdreg s0  }
0xa6: {  	s10 =	simm.s32 @!p1 $0x0;
	s25 =	sadd.s32 s16, s24;
	v1 =	vld [tilespmem:s4+$0x0]  }
0xa7: {  	s10 =	sshll.u32 s10, $0x6;
	s19 =	sor.u32 $0x10, s16;
	v2 =	vld [tilespmem:s25+$0x0]  }
0xa8: {  	s21 =	sor.u32 $0x20, s16;
	s17 =	sadd.s32 s19, s24;
	s4 =	sadd.s32 $0x0, s10  }
0xa9: {  	s0 =	sadd.s32 s21, s24;
	v3 =	vld [tilespmem:s17+$0x0];
	s10 =	sadd.s32 $0x30, s4  }
0xaa: {  	s11 =	rddreg [dreg:$0xb];
	v4 =	vld [tilespmem:s0+$0x0];
	s29 =	sor.u32 $0x200, s10  }
0xab: {  	s26 =	sadd.s32 s1, s11;
	s31 =	sor.u32 $0x200, s4;
	[tilespmem:s29+$0x11080] =	vst.add.f32.msk $0xffff, v1  }
0xac: {  	s30 =	sadd.s32 s2, s26;
	s18 =	sadd.s32 $0x10, s4;
	[tilespmem:s31+$0x11080] =	vst.add.f32.msk $0xffff, v2  }
0xad: {  	s17 =	sadd.s32 $0x20, s4;
	s5 =	sor.u32 $0x200, s18;
	v1 =	vld [tilespmem:s30+$0x0]  }
0xae: {  	s6 =	sor.u32 $0x200, s17;
	s20 =	rddreg [dreg:$0xc];
	[tilespmem:s5+$0x11080] =	vst.add.f32.msk $0xffff, v3  }
0xaf: {  	s7 =	sadd.s32 s16, s26;
	[tilespmem:s6+$0x11080] =	vst.add.f32.msk $0xffff, v4  }
0xb0: {  	s25 =	sadd.s32 s19, s26;
	v2 =	vld [tilespmem:s7+$0x0]  }
0xb1: {  	s0 =	sadd.s32 s21, s26;
	v3 =	vld [tilespmem:s25+$0x0]  }
0xb2: {  	s23 =	sor.u32 $0x280, s10;
	s11 =	sadd.s32 s1, s20;
	v4 =	vld [tilespmem:s0+$0x0]  }
0xb3: {  	s24 =	sadd.s32 s2, s11;
	[tilespmem:s23+$0x11080] =	vst.add.f32.msk $0xffff, v1  }
0xb4: {  	s29 =	sor.u32 $0x280, s4;
	v1 =	vld [tilespmem:s24+$0x0]  }
0xb5: {  	s6 =	sor.u32 $0x280, s18;
	s26 =	rddreg [dreg:$0xd];
	[tilespmem:s29+$0x11080] =	vst.add.f32.msk $0xffff, v2  }
0xb6: {  	s7 =	sor.u32 $0x280, s17;
	[tilespmem:s6+$0x11080] =	vst.add.f32.msk $0xffff, v3  }
0xb7: {  	s30 =	sadd.s32 s16, s11;
	[tilespmem:s7+$0x11080] =	vst.add.f32.msk $0xffff, v4  }
0xb8: {  	s20 =	sadd.s32 s19, s11;
	v2 =	vld [tilespmem:s30+$0x0]  }
0xb9: {  	s31 =	sor.u32 $0x300, s10;
	s22 =	sadd.s32 s21, s11;
	v3 =	vld [tilespmem:s20+$0x0]  }
0xba: {  	s23 =	sor.u32 $0x380, s10;
	s24 =	sor.u32 $0x300, s4;
	s0 =	sadd.s32 s1, s26;
	v4 =	vld [tilespmem:s22+$0x0]  }
0xbb: {  	s29 =	sor.u32 $0x300, s18;
	s26 =	sor.u32 s15, s15;
	s5 =	sadd.s32 s2, s0;
	[tilespmem:s31+$0x11080] =	vst.add.f32.msk $0xffff, v1  }
0xbc: {  	s15 =	simm.s32 $0x200;
	s25 =	sadd.s32 s16, s0;
	s16 =	simm.s32 $0x40;
	v1 =	vld [tilespmem:s5+$0x0]  }
0xbd: {  	s30 =	rddreg [dreg:$0xa];
	s10 =	sand.u32 $0x1C00, s15;
	s20 =	sand.u32 $0x40, s16;
	[tilespmem:s24+$0x11080] =	vst.add.f32.msk $0xffff, v2  }
0xbe: {  	s1 =	sadd.s32 s10, s30;
	s4 =	sor.u32 $0x30, s20;
	s31 =	sor.u32 $0x300, s17;
	[tilespmem:s29+$0x11080] =	vst.add.f32.msk $0xffff, v3  }
0xbf: {  	s6 =	sadd.s32 s4, s1;
	[tilespmem:s31+$0x11080] =	vst.add.f32.msk $0xffff, v4  }
0xc0: {  	v4 =	vld [tilespmem:s6+$0x0]  }
0xc1: {  	s22 =	sor.u32 $0x10, s20;
	s5 =	sadd.s32 s19, s0;
	v2 =	vld [tilespmem:s25+$0x0]  }
0xc2: {  	s24 =	sadd.s32 s22, s1;
	v3 =	vld [tilespmem:s5+$0x0]  }
0xc3: {  	v5 =	vld [tilespmem:s24+$0x0]  }
0xc4: {  	p1 =	por !p1, !p1;
	s11 =	simm.s32 $0x1;
	s0 =	sadd.s32 s21, s0;
	[tilespmem:s23+$0x11080] =	vst.add.f32.msk $0xffff, v1  }
0xc5: {  	s11 =	simm.s32 @!p1 $0x0;
	s2 =	sor.u32 $0x380, s26;
	v1 =	vld [tilespmem:s0+$0x0]  }
0xc6: {  	s7 =	sadd.s32 s20, s1;
	s19 =	sshll.u32 s11, $0x6;
	[tilespmem:s2+$0x11080] =	vst.add.f32.msk $0xffff, v2  }
0xc7: {  	s30 =	sor.u32 $0x380, s18;
	s23 =	sor.u32 $0x20, s20;
	s0 =	sadd.s32 $0x200, s19;
	v2 =	vld [tilespmem:s7+$0x0]  }
0xc8: {  	s21 =	rddreg [dreg:$0xb];
	s1 =	sadd.s32 s23, s1;
	s2 =	sadd.s32 $0x30, s0;
	[tilespmem:s30+$0x11080] =	vst.add.f32.msk $0xffff, v3  }
0xc9: {  	v6 =	vld [tilespmem:s1+$0x0];
	s1 =	sadd.s32 s10, s21;
	s25 =	sor.u32 $0x200, s2  }
0xca: {  	[tilespmem:s25+$0x11080] =	vst.add.f32.msk $0xffff, v4;
	s26 =	sadd.s32 s4, s1  }
0xcb: {  	s29 =	sor.u32 $0x200, s0;
	s21 =	sadd.s32 $0x10, s0;
	v4 =	vld [tilespmem:s26+$0x0]  }
0xcc: {  	s24 =	sadd.s32 $0x20, s0;
	s31 =	sor.u32 $0x200, s21;
	[tilespmem:s29+$0x11080] =	vst.add.f32.msk $0xffff, v2  }
0xcd: {  	s6 =	sor.u32 $0x200, s24;
	s5 =	rddreg [dreg:$0xc];
	[tilespmem:s31+$0x11080] =	vst.add.f32.msk $0xffff, v5  }
0xce: {  	s7 =	sadd.s32 s20, s1;
	[tilespmem:s6+$0x11080] =	vst.add.f32.msk $0xffff, v6  }
0xcf: {  	s29 =	sadd.s32 s22, s1;
	s1 =	sadd.s32 s23, s1;
	v2 =	vld [tilespmem:s7+$0x0]  }
0xd0: {  	s25 =	sor.u32 $0x280, s2;
	v5 =	vld [tilespmem:s1+$0x0]  }
0xd1: {  	s11 =	sadd.s32 s10, s5;
	[tilespmem:s25+$0x11080] =	vst.add.f32.msk $0xffff, v4  }
0xd2: {  	s26 =	sadd.s32 s4, s11;
	v4 =	vld [tilespmem:s29+$0x0]  }
0xd3: {  	s31 =	sor.u32 $0x280, s0;
	v3 =	vld [tilespmem:s26+$0x0]  }
0xd4: {  	s5 =	sadd.s32 s20, s11;
	s30 =	rddreg [dreg:$0xd];
	[tilespmem:s31+$0x11080] =	vst.add.f32.msk $0xffff, v2  }
0xd5: {  	s19 =	sor.u32 $0x280, s24;
	v2 =	vld [tilespmem:s5+$0x0]  }
0xd6: {  	s18 =	sor.u32 $0x280, s21;
	[tilespmem:s19+$0x11080] =	vst.add.f32.msk $0xffff, v5  }
0xd7: {  	s7 =	sor.u32 $0x300, s2;
	[tilespmem:s18+$0x11080] =	vst.add.f32.msk $0xffff, v4  }
0xd8: {  	s25 =	sadd.s32 s22, s11;
	s6 =	sadd.s32 s10, s30;
	[tilespmem:s7+$0x11080] =	vst.add.f32.msk $0xffff, v3  }
0xd9: {  	s4 =	sadd.s32 s4, s6;
	v4 =	vld [tilespmem:s25+$0x0]  }
0xda: {  	s26 =	sadd.s32 s23, s11;
	v63 =	vld [tilespmem:s4+$0x0]  }
0xdb: {  	s0 =	sor.u32 $0x300, s0;
	v3 =	vld [tilespmem:s26+$0x0]  }
0xdc: {  	s17 =	sor.u32 $0x380, s17;
	s28 =	sor.u32 $0x300, s24;
	s30 =	sadd.s32 s20, s6;
	[tilespmem:s0+$0x11080] =	vst.add.f32.msk $0xffff, v2  }
0xdd: {  	s2 =	sor.u32 $0x380, s2;
	s29 =	sor.u32 s15, s16;
	s31 =	sor.u32 $0x300, s21;
	v2 =	vld [tilespmem:s30+$0x0]  }
0xde: {  	s20 =	sor.u32 $0x380, s21;
	s21 =	sor.u32 $0x380, s24;
	s22 =	sadd.s32 s22, s6;
	[tilespmem:s31+$0x11080] =	vst.add.f32.msk $0xffff, v4  }
0xdf: {  	s24 =	sadd.s32 s23, s6;
	s19 =	sor.u32 $0x380, s29;
	s18 =	simm.s32 $0x4;
	[tilespmem:s2+$0x11080] =	vst.add.f32.msk $0xffff, v63  }
.LBB2_4:
0xe0: {  	_ =	sdelay $0x1  }
0xe1: {  	[tilespmem:s28+$0x11080] =	vst.add.f32.msk $0xffff, v3  }
0xe2: {  	s15 =	sadd.s32 $0x200, s15;
	v3 =	vld [tilespmem:s22+$0x0]  }
0xe3: {  	s0 =	rddreg [dreg:$0xa];
	s16 =	sadd.s32 $0x40, s16;
	s23 =	sand.u32 $0x1C00, s15;
	[tilespmem:s19+$0x11080] =	vst.add.f32.msk $0xffff, v2  }
0xe4: {  	s0 =	sadd.s32 s23, s0;
	s22 =	sand.u32 $0x40, s16;
	v4 =	vld [tilespmem:s24+$0x0]  }
0xe5: {  	p1 =	por !p1, !p1;
	s24 =	sor.u32 $0x30, s22;
	[tilespmem:s17+$0x11080] =	vst.add.f32.msk $0xffff, v1;
	s10 =	sadd.s32 s22, s0  }
0xe6: {  	s4 =	simm.s32 $0x1;
	s25 =	sor.u32 $0x10, s22;
	s2 =	sadd.s32 s24, s0;
	v5 =	vld [tilespmem:s10+$0x0]  }
0xe7: {  	s4 =	simm.s32 @!p1 $0x0;
	s11 =	sadd.s32 s25, s0;
	v2 =	vld [tilespmem:s2+$0x0]  }
0xe8: {  	s30 =	sshll.u32 s4, $0x6;
	s26 =	sor.u32 $0x20, s22;
	v6 =	vld [tilespmem:s11+$0x0]  }
0xe9: {  	s31 =	rddreg [dreg:$0xb];
	s0 =	sadd.s32 s26, s0;
	s2 =	sadd.s32 s30, s15;
	[tilespmem:s20+$0x11080] =	vst.add.f32.msk $0xffff, v3  }
0xea: {  	s1 =	sor.u32 s15, s16;
	s29 =	sadd.s32 $0x30, s2;
	s6 =	sor.u32 $0x200, s2;
	v1 =	vmov v4;
	v4 =	vld [tilespmem:s0+$0x0]  }
0xeb: {  	s19 =	sor.u32 $0x380, s1;
	s1 =	sadd.s32 $0x10, s2;
	s5 =	sor.u32 $0x200, s29;
	[tilespmem:s6+$0x11080] =	vst.add.f32.msk $0xffff, v5  }
0xec: {  	s4 =	sadd.s32 s23, s31;
	s10 =	sor.u32 $0x200, s1;
	[tilespmem:s5+$0x11080] =	vst.add.f32.msk $0xffff, v2  }
0xed: {  	s7 =	sadd.s32 s24, s4;
	[tilespmem:s10+$0x11080] =	vst.add.f32.msk $0xffff, v6  }
0xee: {  	s17 =	smov.u32 s21;
	s30 =	sadd.s32 s22, s4;
	s0 =	sadd.s32 $0x20, s2;
	v2 =	vld [tilespmem:s7+$0x0]  }
0xef: {  	s31 =	sadd.s32 s25, s4;
	s4 =	sadd.s32 s26, s4;
	s21 =	sor.u32 $0x200, s0;
	v3 =	vld [tilespmem:s30+$0x0]  }
0xf0: {  	s11 =	rddreg [dreg:$0xc];
	s20 =	sor.u32 $0x380, s1;
	s6 =	sor.u32 $0x280, s0;
	[tilespmem:s21+$0x11080] =	vst.add.f32.msk $0xffff, v4  }
0xf1: {  	s28 =	sor.u32 $0x300, s0;
	s5 =	sor.u32 $0x280, s1;
	s10 =	sor.u32 $0x300, s1;
	v4 =	vld [tilespmem:s31+$0x0]  }
0xf2: {  	s1 =	sor.u32 $0x280, s29;
	s21 =	sor.u32 $0x380, s0;
	s0 =	sadd.s32 s23, s11;
	v5 =	vld [tilespmem:s4+$0x0]  }
0xf3: {  	[tilespmem:s1+$0x11080] =	vst.add.f32.msk $0xffff, v2;
	s1 =	sadd.s32 s24, s0  }
0xf4: {  	s7 =	sor.u32 $0x280, s2;
	v2 =	vld [tilespmem:s1+$0x0]  }
0xf5: {  	s11 =	sadd.s32 s22, s0;
	[tilespmem:s7+$0x11080] =	vst.add.f32.msk $0xffff, v3  }
0xf6: {  	v63 =	vld [tilespmem:s11+$0x0]  }
0xf7: {  	s30 =	sadd.s32 s25, s0;
	s1 =	rddreg [dreg:$0xd];
	[tilespmem:s5+$0x11080] =	vst.add.f32.msk $0xffff, v4  }
0xf8: {  	s11 =	sor.u32 $0x300, s29;
	s1 =	sadd.s32 s23, s1;
	v4 =	vld [tilespmem:s30+$0x0]  }
0xf9: {  	s23 =	sadd.s32 s22, s1;
	s22 =	sadd.s32 s25, s1;
	s25 =	sadd.s32 s24, s1;
	[tilespmem:s11+$0x11080] =	vst.add.f32.msk $0xffff, v2  }
0xfa: {  	s18 =	sadd.s32 $0x4, s18;
	v2 =	vld [tilespmem:s25+$0x0]  }
0xfb: {  	p2 =	slt.u32 s18, $0x3C;
	s0 =	sadd.s32 s26, s0;
	[tilespmem:s6+$0x11080] =	vst.add.f32.msk $0xffff, v5  }
.Ltmp1:
0xfc: {  	s2 =	sor.u32 $0x300, s2;
	v3 =	vld [tilespmem:s0+$0x0];
	(pc) =	sbr.rel @p2 .LBB2_4-.Ltmp1, $4  }
0xfd: {  	[tilespmem:s2+$0x11080] =	vst.add.f32.msk $0xffff, v63  }
0xfe: {  	s31 =	sor.u32 $0x380, s29;
	[tilespmem:s10+$0x11080] =	vst.add.f32.msk $0xffff, v4  }
0xff: {  	[tilespmem:s31+$0x11080] =	vst.add.f32.msk $0xffff, v2  }
0x100: {  	s24 =	sadd.s32 s26, s1;
	v2 =	vld [tilespmem:s23+$0x0]  }
0x101: {  	(v2sf) =	vpush v0, $0x8;
	_ =	sdelay $0x1  }
0x102: {  	(v2sf) =	vpush v0, $0x9  }
0x103: {  	(v2sf) =	vpush v0, $0xA;
	_ =	sdelay $0x4  }
0x104: {  	(v2sf) =	vpush v0, $0xB;
	_ =	sdelay $0x1  }
0x105: {  	[tilespmem:s28+$0x11080] =	vst.add.f32.msk $0xffff, v3  }
0x106: {  	v3 =	vld [tilespmem:s22+$0x0];
	_ =	sdelay $0x3  }
0x107: {  	s7 =	simm.s32 $0x0;
	v4 =	vld [tilespmem:s24+$0x0];
	s0 =	spop (v2sf)  }
0x108: {  	[tilespmem:s20+$0x11080] =	vst.add.f32.msk $0xffff, v3;
	s20 =	sand.u32 $0x40, s7;
	s1 =	sshll.u32 s0, $0xA  }
0x109: {  	s0 =	sshll.u32 s0, $0x7;
	s2 =	spop (v2sf);
	s1 =	sand.u32 $0xFFFFE000, s1  }
0x10a: {  	s0 =	sand.u32 $0x380, s0;
	s4 =	spop (v2sf);
	s24 =	sshll.u32 s2, $0xA  }
0x10b: {  	[tilespmem:s17+$0x11080] =	vst.add.f32.msk $0xffff, v1;
	s2 =	sshll.u32 s2, $0x7;
	s0 =	sor.u32 s0, s1;
	s1 =	sand.u32 $0xFFFFE000, s24  }
0x10c: {  	[tilespmem:s19+$0x11080] =	vst.add.f32.msk $0xffff, v2;
	s2 =	sand.u32 $0x380, s2;
	s5 =	sshll.u32 s4, $0xA;
	s4 =	sshll.u32 s4, $0x7  }
0x10d: {  	[tilespmem:s21+$0x11080] =	vst.add.f32.msk $0xffff, v4;
	s0 =	sadd.s32 $0x1080, s0;
	s1 =	sor.u32 s2, s1;
	s25 =	sand.u32 $0xFFFFE000, s5  }
0x10e: {  	s4 =	sand.u32 $0x380, s4;
	[dreg:$0xe] =	wrdreg s0;
	s26 =	sadd.s32 $0x1080, s1  }
0x10f: {  	s31 =	sor.u32 s4, s25;
	s4 =	spop (v2sf);
	[dreg:$0xf] =	wrdreg s26  }
0x110: {  	s2 =	sadd.s32 $0x1080, s31;
	s5 =	sshll.u32 s4, $0xA;
	s1 =	sshll.u32 s4, $0x7  }
0x111: {  	s6 =	rddreg [dreg:$0xe];
	s0 =	sand.u32 $0xFFFFE000, s5;
	s1 =	sand.u32 $0x380, s1  }
0x112: {  	s4 =	sor.u32 $0x30, s20;
	s0 =	sor.u32 s1, s0;
	s1 =	sand.u32 $0x1C00, s7  }
0x113: {  	[dreg:$0x10] =	wrdreg s2;
	s0 =	sadd.s32 $0x1080, s0;
	s2 =	sadd.s32 s1, s6  }
0x114: {  	[dreg:$0x11] =	wrdreg s0;
	s10 =	sadd.s32 s4, s2  }
0x115: {  	s11 =	sadd.s32 s20, s2;
	v1 =	vld [tilespmem:s10+$0x0]  }
0x116: {  	s18 =	sor.u32 $0x10, s20;
	v2 =	vld [tilespmem:s11+$0x0]  }
0x117: {  	s17 =	sor.u32 $0x20, s20;
	s6 =	sadd.s32 s18, s2  }
0x118: {  	s19 =	sadd.s32 $0x13080, s1;
	s16 =	sadd.s32 s17, s2;
	v3 =	vld [tilespmem:s6+$0x0]  }
0x119: {  	s15 =	rddreg [dreg:$0xf];
	s22 =	sor.u32 s4, s19;
	v4 =	vld [tilespmem:s16+$0x0]  }
0x11a: {  	s21 =	sadd.s32 s1, s15;
	s24 =	sor.u32 s20, s19;
	[tilespmem:s22+$0x0] =	vst.add.f32.msk $0xffff, v1  }
0x11b: {  	s23 =	sadd.s32 s4, s21;
	[tilespmem:s24+$0x0] =	vst.add.f32.msk $0xffff, v2  }
0x11c: {  	s25 =	sor.u32 s18, s19;
	v1 =	vld [tilespmem:s23+$0x0]  }
0x11d: {  	s2 =	sor.u32 s17, s19;
	s6 =	rddreg [dreg:$0x10];
	[tilespmem:s25+$0x0] =	vst.add.f32.msk $0xffff, v3  }
0x11e: {  	s26 =	sadd.s32 s20, s21;
	[tilespmem:s2+$0x0] =	vst.add.f32.msk $0xffff, v4  }
0x11f: {  	s0 =	sadd.s32 s17, s21;
	v2 =	vld [tilespmem:s26+$0x0]  }
0x120: {  	s7 =	sadd.s32 $0x13100, s1;
	s11 =	sadd.s32 s18, s21;
	v4 =	vld [tilespmem:s0+$0x0]  }
0x121: {  	s31 =	sadd.s32 s1, s6;
	s6 =	sor.u32 s4, s7;
	v3 =	vld [tilespmem:s11+$0x0]  }
0x122: {  	s10 =	sadd.s32 s4, s31;
	[tilespmem:s6+$0x0] =	vst.add.f32.msk $0xffff, v1  }
0x123: {  	s16 =	sor.u32 s20, s7;
	v1 =	vld [tilespmem:s10+$0x0]  }
0x124: {  	s25 =	sor.u32 s17, s7;
	s15 =	rddreg [dreg:$0x11];
	[tilespmem:s16+$0x0] =	vst.add.f32.msk $0xffff, v2  }
0x125: {  	s19 =	sadd.s32 s20, s31;
	[tilespmem:s25+$0x0] =	vst.add.f32.msk $0xffff, v4  }
0x126: {  	s10 =	sor.u32 s18, s7;
	v2 =	vld [tilespmem:s19+$0x0]  }
0x127: {  	s2 =	sadd.s32 s17, s31;
	[tilespmem:s10+$0x0] =	vst.add.f32.msk $0xffff, v3  }
0x128: {  	s21 =	sadd.s32 $0x13180, s1;
	s26 =	sadd.s32 s18, s31;
	v4 =	vld [tilespmem:s2+$0x0]  }
0x129: {  	s23 =	sor.u32 s4, s21;
	s22 =	sadd.s32 s1, s15;
	v3 =	vld [tilespmem:s26+$0x0]  }
0x12a: {  	s24 =	sadd.s32 s4, s22;
	[tilespmem:s23+$0x0] =	vst.add.f32.msk $0xffff, v1  }
0x12b: {  	s31 =	sor.u32 s20, s21;
	v1 =	vld [tilespmem:s24+$0x0]  }
0x12c: {  	s19 =	sadd.s32 $0x13200, s1;
	s10 =	sor.u32 s17, s21;
	[tilespmem:s31+$0x0] =	vst.add.f32.msk $0xffff, v2  }
0x12d: {  	s1 =	sor.u32 s4, s19;
	s4 =	sadd.s32 s20, s22;
	[tilespmem:s10+$0x0] =	vst.add.f32.msk $0xffff, v4  }
0x12e: {  	s5 =	sor.u32 s18, s21;
	v2 =	vld [tilespmem:s4+$0x0]  }
0x12f: {  	s11 =	sadd.s32 s18, s22;
	[tilespmem:s5+$0x0] =	vst.add.f32.msk $0xffff, v3  }
0x130: {  	s7 =	rddreg [dreg:$0xe];
	s16 =	simm.s32 $0x40;
	s15 =	simm.s32 $0x200;
	v3 =	vld [tilespmem:s11+$0x0]  }
0x131: {  	s21 =	sand.u32 $0x40, s16;
	s0 =	sadd.s32 s17, s22;
	s23 =	sand.u32 $0x1C00, s15;
	[tilespmem:s1+$0x0] =	vst.add.f32.msk $0xffff, v1  }
0x132: {  	s2 =	sor.u32 $0x30, s21;
	s24 =	sor.u32 s20, s19;
	s1 =	sadd.s32 s23, s7;
	v1 =	vld [tilespmem:s0+$0x0]  }
0x133: {  	s22 =	sadd.s32 s2, s1;
	[tilespmem:s24+$0x0] =	vst.add.f32.msk $0xffff, v2  }
0x134: {  	s20 =	sor.u32 $0x10, s21;
	s25 =	sadd.s32 s21, s1;
	v4 =	vld [tilespmem:s22+$0x0]  }
0x135: {  	s31 =	sadd.s32 s20, s1;
	v2 =	vld [tilespmem:s25+$0x0]  }
0x136: {  	s24 =	sor.u32 s18, s19;
	s22 =	sor.u32 $0x20, s21;
	v5 =	vld [tilespmem:s31+$0x0]  }
0x137: {  	s6 =	sadd.s32 $0x13080, s23;
	[tilespmem:s24+$0x0] =	vst.add.f32.msk $0xffff, v3;
	s1 =	sadd.s32 s22, s1  }
0x138: {  	s26 =	rddreg [dreg:$0xf];
	s7 =	sor.u32 s2, s6;
	v6 =	vld [tilespmem:s1+$0x0]  }
0x139: {  	s11 =	sor.u32 s21, s6;
	s0 =	sadd.s32 s23, s26;
	[tilespmem:s7+$0x0] =	vst.add.f32.msk $0xffff, v4  }
0x13a: {  	s10 =	sadd.s32 s2, s0;
	[tilespmem:s11+$0x0] =	vst.add.f32.msk $0xffff, v2  }
0x13b: {  	s25 =	sor.u32 s20, s6;
	v4 =	vld [tilespmem:s10+$0x0]  }
0x13c: {  	s26 =	sadd.s32 s21, s0;
	s5 =	rddreg [dreg:$0x10];
	[tilespmem:s25+$0x0] =	vst.add.f32.msk $0xffff, v5  }
0x13d: {  	s1 =	sor.u32 s22, s6;
	v2 =	vld [tilespmem:s26+$0x0]  }
0x13e: {  	s6 =	sadd.s32 $0x13100, s23;
	s7 =	sadd.s32 s20, s0;
	s0 =	sadd.s32 s22, s0;
	[tilespmem:s1+$0x0] =	vst.add.f32.msk $0xffff, v6  }
0x13f: {  	s31 =	sor.u32 s2, s6;
	v5 =	vld [tilespmem:s0+$0x0]  }
0x140: {  	s1 =	sadd.s32 s23, s5;
	[tilespmem:s31+$0x0] =	vst.add.f32.msk $0xffff, v4  }
0x141: {  	s5 =	sadd.s32 s2, s1;
	v4 =	vld [tilespmem:s7+$0x0]  }
0x142: {  	s11 =	sor.u32 s21, s6;
	v3 =	vld [tilespmem:s5+$0x0]  }
0x143: {  	s18 =	sadd.s32 s21, s1;
	s10 =	rddreg [dreg:$0x11];
	[tilespmem:s11+$0x0] =	vst.add.f32.msk $0xffff, v2  }
0x144: {  	s31 =	sor.u32 s20, s6;
	s6 =	sor.u32 s22, s6;
	v2 =	vld [tilespmem:s18+$0x0]  }
0x145: {  	s5 =	sadd.s32 $0x13180, s23;
	[tilespmem:s6+$0x0] =	vst.add.f32.msk $0xffff, v5  }
0x146: {  	s25 =	sor.u32 s2, s5;
	[tilespmem:s31+$0x0] =	vst.add.f32.msk $0xffff, v4  }
0x147: {  	s24 =	sadd.s32 s23, s10;
	s10 =	sadd.s32 s20, s1;
	[tilespmem:s25+$0x0] =	vst.add.f32.msk $0xffff, v3  }
0x148: {  	s26 =	sadd.s32 s2, s24;
	v4 =	vld [tilespmem:s10+$0x0]  }
0x149: {  	s1 =	sadd.s32 s22, s1;
	v63 =	vld [tilespmem:s26+$0x0]  }
0x14a: {  	s17 =	sor.u32 s17, s19;
	s19 =	sor.u32 s21, s5;
	v3 =	vld [tilespmem:s1+$0x0]  }
0x14b: {  	s11 =	sadd.s32 $0x13200, s23;
	s31 =	sadd.s32 s21, s24;
	[tilespmem:s19+$0x0] =	vst.add.f32.msk $0xffff, v2  }
0x14c: {  	s18 =	sor.u32 s2, s11;
	s23 =	sor.u32 s20, s5;
	s29 =	sor.u32 s22, s5;
	v2 =	vld [tilespmem:s31+$0x0]  }
0x14d: {  	s28 =	sor.u32 s21, s11;
	s30 =	sadd.s32 s20, s24;
	s25 =	sor.u32 s22, s11;
	[tilespmem:s23+$0x0] =	vst.add.f32.msk $0xffff, v4  }
0x14e: {  	s26 =	sadd.s32 s22, s24;
	s24 =	sor.u32 s20, s11;
	[tilespmem:s18+$0x0] =	vst.add.f32.msk $0xffff, v63;
	s18 =	simm.s32 $0x4  }
.LBB2_6:
0x14f: {  	_ = 	snop  }
0x150: {  	s15 =	sadd.s32 $0x200, s15;
	s16 =	sadd.s32 $0x40, s16  }
0x151: {  	s0 =	rddreg [dreg:$0xe];
	s19 =	sand.u32 $0x40, s16;
	s21 =	sand.u32 $0x1C00, s15;
	[tilespmem:s29+$0x0] =	vst.add.f32.msk $0xffff, v3  }
0x152: {  	s0 =	sadd.s32 s21, s0;
	s20 =	sor.u32 $0x30, s19;
	v3 =	vld [tilespmem:s30+$0x0]  }
0x153: {  	s22 =	sor.u32 $0x10, s19;
	s2 =	sadd.s32 s20, s0;
	[tilespmem:s28+$0x0] =	vst.add.f32.msk $0xffff, v2  }
0x154: {  	s4 =	sadd.s32 s22, s0;
	v2 =	vld [tilespmem:s2+$0x0]  }
0x155: {  	v6 =	vld [tilespmem:s4+$0x0]  }
0x156: {  	v4 =	vld [tilespmem:s26+$0x0]  }
0x157: {  	s1 =	sadd.s32 s19, s0;
	[tilespmem:s17+$0x0] =	vst.add.f32.msk $0xffff, v1  }
0x158: {  	s7 =	sadd.s32 $0x13080, s21;
	v5 =	vld [tilespmem:s1+$0x0]  }
0x159: {  	s6 =	rddreg [dreg:$0xf];
	s23 =	sor.u32 $0x20, s19;
	s11 =	sor.u32 s20, s7;
	[tilespmem:s24+$0x0] =	vst.add.f32.msk $0xffff, v3  }
0x15a: {  	s0 =	sadd.s32 s23, s0;
	s1 =	sadd.s32 s21, s6;
	[tilespmem:s11+$0x0] =	vst.add.f32.msk $0xffff, v2  }
0x15b: {  	s24 =	sadd.s32 s20, s1;
	v1 =	vmov v4;
	v4 =	vld [tilespmem:s0+$0x0]  }
0x15c: {  	s10 =	sor.u32 s19, s7;
	v2 =	vld [tilespmem:s24+$0x0]  }
0x15d: {  	s5 =	sor.u32 s22, s7;
	[tilespmem:s10+$0x0] =	vst.add.f32.msk $0xffff, v5  }
0x15e: {  	s6 =	sadd.s32 s19, s1;
	[tilespmem:s5+$0x0] =	vst.add.f32.msk $0xffff, v6  }
0x15f: {  	s2 =	sor.u32 s23, s7;
	s26 =	sadd.s32 $0x13100, s21;
	v3 =	vld [tilespmem:s6+$0x0]  }
0x160: {  	s17 =	smov.u32 s25;
	s25 =	rddreg [dreg:$0x10];
	s11 =	sor.u32 s20, s26;
	[tilespmem:s2+$0x0] =	vst.add.f32.msk $0xffff, v4  }
0x161: {  	s7 =	sadd.s32 s22, s1;
	s0 =	sadd.s32 s21, s25;
	[tilespmem:s11+$0x0] =	vst.add.f32.msk $0xffff, v2  }
0x162: {  	s24 =	sadd.s32 s20, s0;
	v4 =	vld [tilespmem:s7+$0x0]  }
0x163: {  	s1 =	sadd.s32 s23, s1;
	v2 =	vld [tilespmem:s24+$0x0]  }
0x164: {  	s31 =	sor.u32 s19, s26;
	v5 =	vld [tilespmem:s1+$0x0]  }
0x165: {  	s10 =	sadd.s32 s19, s0;
	[tilespmem:s31+$0x0] =	vst.add.f32.msk $0xffff, v3  }
0x166: {  	s4 =	sor.u32 s23, s26;
	s6 =	sor.u32 s22, s26;
	s26 =	sadd.s32 $0x13180, s21;
	v63 =	vld [tilespmem:s10+$0x0]  }
0x167: {  	s25 =	rddreg [dreg:$0x11];
	s31 =	sor.u32 s20, s26;
	[tilespmem:s6+$0x0] =	vst.add.f32.msk $0xffff, v4  }
0x168: {  	s5 =	sadd.s32 s21, s25;
	s11 =	sadd.s32 s22, s0;
	[tilespmem:s31+$0x0] =	vst.add.f32.msk $0xffff, v2  }
0x169: {  	s24 =	sadd.s32 s20, s5;
	v4 =	vld [tilespmem:s11+$0x0]  }
0x16a: {  	s18 =	sadd.s32 $0x4, s18;
	v2 =	vld [tilespmem:s24+$0x0]  }
0x16b: {  	p1 =	slt.u32 s18, $0x3C;
	s0 =	sadd.s32 s23, s0;
	[tilespmem:s4+$0x0] =	vst.add.f32.msk $0xffff, v5  }
.Ltmp2:
0x16c: {  	s2 =	sor.u32 s19, s26;
	v3 =	vld [tilespmem:s0+$0x0];
	(pc) =	sbr.rel @p1 .LBB2_6-.Ltmp2, $4  }
0x16d: {  	s25 =	sadd.s32 $0x13200, s21;
	s10 =	sor.u32 s22, s26;
	[tilespmem:s2+$0x0] =	vst.add.f32.msk $0xffff, v63  }
0x16e: {  	s29 =	sor.u32 s23, s26;
	s31 =	sor.u32 s20, s25;
	[tilespmem:s10+$0x0] =	vst.add.f32.msk $0xffff, v4  }
0x16f: {  	s30 =	sadd.s32 s22, s5;
	s28 =	sor.u32 s19, s25;
	s7 =	sadd.s32 s19, s5;
	[tilespmem:s31+$0x0] =	vst.add.f32.msk $0xffff, v2  }
0x170: {  	s26 =	sadd.s32 s23, s5;
	s24 =	sor.u32 s22, s25;
	s25 =	sor.u32 s23, s25;
	v2 =	vld [tilespmem:s7+$0x0]  }
0x171: {  	(v2sf) =	vpush v0, $0xC;
	_ =	sdelay $0x1  }
0x172: {  	(v2sf) =	vpush v0, $0xD  }
0x173: {  	(v2sf) =	vpush v0, $0xE;
	_ =	sdelay $0x4  }
0x174: {  	(v2sf) =	vpush v0, $0xF;
	_ =	sdelay $0x5  }
0x175: {  	[tilespmem:s29+$0x0] =	vst.add.f32.msk $0xffff, v3  }
0x176: {  	s7 =	simm.s32 $0x0;
	v3 =	vld [tilespmem:s26+$0x0];
	s0 =	spop (v2sf)  }
0x177: {  	s20 =	sand.u32 $0x40, s7;
	v0 =	vld [tilespmem:s30+$0x0];
	s1 =	sshll.u32 s0, $0xA  }
0x178: {  	s0 =	sshll.u32 s0, $0x7;
	s2 =	spop (v2sf);
	s1 =	sand.u32 $0xFFFFE000, s1  }
0x179: {  	[tilespmem:s17+$0x0] =	vst.add.f32.msk $0xffff, v1;
	s0 =	sand.u32 $0x380, s0;
	s4 =	spop (v2sf);
	s23 =	sshll.u32 s2, $0xA  }
0x17a: {  	[tilespmem:s28+$0x0] =	vst.add.f32.msk $0xffff, v2;
	s2 =	sshll.u32 s2, $0x7;
	s0 =	sor.u32 s0, s1;
	s1 =	sand.u32 $0xFFFFE000, s23  }
0x17b: {  	[tilespmem:s25+$0x0] =	vst.add.f32.msk $0xffff, v3;
	s2 =	sand.u32 $0x380, s2;
	s5 =	sshll.u32 s4, $0xA;
	s4 =	sshll.u32 s4, $0x7  }
0x17c: {  	[tilespmem:s24+$0x0] =	vst.add.f32.msk $0xffff, v0;
	s0 =	sadd.s32 $0x1080, s0;
	s1 =	sor.u32 s2, s1;
	s25 =	sand.u32 $0xFFFFE000, s5  }
0x17d: {  	s4 =	sand.u32 $0x380, s4;
	[dreg:$0x12] =	wrdreg s0;
	s26 =	sadd.s32 $0x1080, s1  }
0x17e: {  	s31 =	sor.u32 s4, s25;
	s4 =	spop (v2sf);
	[dreg:$0x13] =	wrdreg s26  }
0x17f: {  	s2 =	sadd.s32 $0x1080, s31;
	s5 =	sshll.u32 s4, $0xA;
	s1 =	sshll.u32 s4, $0x7  }
0x180: {  	s6 =	rddreg [dreg:$0x12];
	s0 =	sand.u32 $0xFFFFE000, s5;
	s1 =	sand.u32 $0x380, s1  }
0x181: {  	s4 =	sor.u32 $0x30, s20;
	s0 =	sor.u32 s1, s0;
	s1 =	sand.u32 $0x1C00, s7  }
0x182: {  	[dreg:$0x14] =	wrdreg s2;
	s0 =	sadd.s32 $0x1080, s0;
	s2 =	sadd.s32 s1, s6  }
0x183: {  	[dreg:$0x15] =	wrdreg s0;
	s10 =	sadd.s32 s4, s2  }
0x184: {  	s11 =	sadd.s32 s20, s2;
	v0 =	vld [tilespmem:s10+$0x0]  }
0x185: {  	s18 =	sor.u32 $0x10, s20;
	v1 =	vld [tilespmem:s11+$0x0]  }
0x186: {  	s17 =	sor.u32 $0x20, s20;
	s6 =	sadd.s32 s18, s2  }
0x187: {  	s19 =	sadd.s32 $0x13280, s1;
	s16 =	sadd.s32 s17, s2;
	v2 =	vld [tilespmem:s6+$0x0]  }
0x188: {  	s15 =	rddreg [dreg:$0x13];
	s22 =	sor.u32 s4, s19;
	v3 =	vld [tilespmem:s16+$0x0]  }
0x189: {  	s21 =	sadd.s32 s1, s15;
	s24 =	sor.u32 s20, s19;
	[tilespmem:s22+$0x0] =	vst.add.f32.msk $0xffff, v0  }
0x18a: {  	s23 =	sadd.s32 s4, s21;
	[tilespmem:s24+$0x0] =	vst.add.f32.msk $0xffff, v1  }
0x18b: {  	s25 =	sor.u32 s18, s19;
	v0 =	vld [tilespmem:s23+$0x0]  }
0x18c: {  	s2 =	sor.u32 s17, s19;
	s6 =	rddreg [dreg:$0x14];
	[tilespmem:s25+$0x0] =	vst.add.f32.msk $0xffff, v2  }
0x18d: {  	s26 =	sadd.s32 s20, s21;
	[tilespmem:s2+$0x0] =	vst.add.f32.msk $0xffff, v3  }
0x18e: {  	s0 =	sadd.s32 s17, s21;
	v1 =	vld [tilespmem:s26+$0x0]  }
0x18f: {  	s7 =	sadd.s32 $0x13300, s1;
	s11 =	sadd.s32 s18, s21;
	v3 =	vld [tilespmem:s0+$0x0]  }
0x190: {  	s31 =	sadd.s32 s1, s6;
	s6 =	sor.u32 s4, s7;
	v2 =	vld [tilespmem:s11+$0x0]  }
0x191: {  	s10 =	sadd.s32 s4, s31;
	[tilespmem:s6+$0x0] =	vst.add.f32.msk $0xffff, v0  }
0x192: {  	s16 =	sor.u32 s20, s7;
	v0 =	vld [tilespmem:s10+$0x0]  }
0x193: {  	s25 =	sor.u32 s17, s7;
	s15 =	rddreg [dreg:$0x15];
	[tilespmem:s16+$0x0] =	vst.add.f32.msk $0xffff, v1  }
0x194: {  	s19 =	sadd.s32 s20, s31;
	[tilespmem:s25+$0x0] =	vst.add.f32.msk $0xffff, v3  }
0x195: {  	s10 =	sor.u32 s18, s7;
	v1 =	vld [tilespmem:s19+$0x0]  }
0x196: {  	s2 =	sadd.s32 s17, s31;
	[tilespmem:s10+$0x0] =	vst.add.f32.msk $0xffff, v2  }
0x197: {  	s21 =	sadd.s32 $0x13380, s1;
	s26 =	sadd.s32 s18, s31;
	v3 =	vld [tilespmem:s2+$0x0]  }
0x198: {  	s23 =	sor.u32 s4, s21;
	s22 =	sadd.s32 s1, s15;
	v2 =	vld [tilespmem:s26+$0x0]  }
0x199: {  	s24 =	sadd.s32 s4, s22;
	[tilespmem:s23+$0x0] =	vst.add.f32.msk $0xffff, v0  }
0x19a: {  	s31 =	sor.u32 s20, s21;
	v0 =	vld [tilespmem:s24+$0x0]  }
0x19b: {  	s19 =	sadd.s32 $0x13400, s1;
	s10 =	sor.u32 s17, s21;
	[tilespmem:s31+$0x0] =	vst.add.f32.msk $0xffff, v1  }
0x19c: {  	s1 =	sor.u32 s4, s19;
	s4 =	sadd.s32 s20, s22;
	[tilespmem:s10+$0x0] =	vst.add.f32.msk $0xffff, v3  }
0x19d: {  	s5 =	sor.u32 s18, s21;
	v1 =	vld [tilespmem:s4+$0x0]  }
0x19e: {  	s11 =	sadd.s32 s18, s22;
	[tilespmem:s5+$0x0] =	vst.add.f32.msk $0xffff, v2  }
0x19f: {  	s7 =	rddreg [dreg:$0x12];
	s16 =	simm.s32 $0x40;
	s15 =	simm.s32 $0x200;
	v2 =	vld [tilespmem:s11+$0x0]  }
0x1a0: {  	s21 =	sand.u32 $0x40, s16;
	s0 =	sadd.s32 s17, s22;
	s23 =	sand.u32 $0x1C00, s15;
	[tilespmem:s1+$0x0] =	vst.add.f32.msk $0xffff, v0  }
0x1a1: {  	s2 =	sor.u32 $0x30, s21;
	s24 =	sor.u32 s20, s19;
	s1 =	sadd.s32 s23, s7;
	v0 =	vld [tilespmem:s0+$0x0]  }
0x1a2: {  	s22 =	sadd.s32 s2, s1;
	[tilespmem:s24+$0x0] =	vst.add.f32.msk $0xffff, v1  }
0x1a3: {  	s20 =	sor.u32 $0x10, s21;
	s25 =	sadd.s32 s21, s1;
	v3 =	vld [tilespmem:s22+$0x0]  }
0x1a4: {  	s31 =	sadd.s32 s20, s1;
	v1 =	vld [tilespmem:s25+$0x0]  }
0x1a5: {  	s24 =	sor.u32 s18, s19;
	s22 =	sor.u32 $0x20, s21;
	v4 =	vld [tilespmem:s31+$0x0]  }
0x1a6: {  	s6 =	sadd.s32 $0x13280, s23;
	[tilespmem:s24+$0x0] =	vst.add.f32.msk $0xffff, v2;
	s1 =	sadd.s32 s22, s1  }
0x1a7: {  	s26 =	rddreg [dreg:$0x13];
	s7 =	sor.u32 s2, s6;
	v5 =	vld [tilespmem:s1+$0x0]  }
0x1a8: {  	s11 =	sor.u32 s21, s6;
	s0 =	sadd.s32 s23, s26;
	[tilespmem:s7+$0x0] =	vst.add.f32.msk $0xffff, v3  }
0x1a9: {  	s10 =	sadd.s32 s2, s0;
	[tilespmem:s11+$0x0] =	vst.add.f32.msk $0xffff, v1  }
0x1aa: {  	s25 =	sor.u32 s20, s6;
	v3 =	vld [tilespmem:s10+$0x0]  }
0x1ab: {  	s26 =	sadd.s32 s21, s0;
	s5 =	rddreg [dreg:$0x14];
	[tilespmem:s25+$0x0] =	vst.add.f32.msk $0xffff, v4  }
0x1ac: {  	s1 =	sor.u32 s22, s6;
	v1 =	vld [tilespmem:s26+$0x0]  }
0x1ad: {  	s6 =	sadd.s32 $0x13300, s23;
	s7 =	sadd.s32 s20, s0;
	s0 =	sadd.s32 s22, s0;
	[tilespmem:s1+$0x0] =	vst.add.f32.msk $0xffff, v5  }
0x1ae: {  	s31 =	sor.u32 s2, s6;
	s1 =	sadd.s32 s23, s5;
	v62 =	vld [tilespmem:s0+$0x0]  }
0x1af: {  	s5 =	sadd.s32 s2, s1;
	[tilespmem:s31+$0x0] =	vst.add.f32.msk $0xffff, v3  }
0x1b0: {  	v2 =	vld [tilespmem:s5+$0x0]  }
0x1b1: {  	s11 =	sor.u32 s21, s6;
	v3 =	vld [tilespmem:s7+$0x0]  }
0x1b2: {  	s18 =	sadd.s32 s21, s1;
	s10 =	rddreg [dreg:$0x15];
	[tilespmem:s11+$0x0] =	vst.add.f32.msk $0xffff, v1  }
0x1b3: {  	s31 =	sor.u32 s20, s6;
	s6 =	sor.u32 s22, s6;
	s5 =	sadd.s32 $0x13380, s23;
	v63 =	vld [tilespmem:s18+$0x0]  }
0x1b4: {  	s24 =	sadd.s32 s23, s10;
	s25 =	sor.u32 s2, s5;
	[tilespmem:s6+$0x0] =	vst.add.f32.msk $0xffff, v62  }
0x1b5: {  	s26 =	sadd.s32 s2, s24;
	[tilespmem:s25+$0x0] =	vst.add.f32.msk $0xffff, v2  }
0x1b6: {  	v2 =	vld [tilespmem:s26+$0x0]  }
0x1b7: {  	s10 =	sadd.s32 s20, s1;
	[tilespmem:s31+$0x0] =	vst.add.f32.msk $0xffff, v3  }
0x1b8: {  	s1 =	sadd.s32 s22, s1;
	v3 =	vld [tilespmem:s10+$0x0]  }
0x1b9: {  	s17 =	sor.u32 s17, s19;
	s11 =	sadd.s32 $0x13400, s23;
	s19 =	sor.u32 s21, s5;
	v1 =	vld [tilespmem:s1+$0x0]  }
0x1ba: {  	s18 =	sor.u32 s2, s11;
	[tilespmem:s19+$0x0] =	vst.add.f32.msk $0xffff, v63  }
0x1bb: {  	s23 =	sor.u32 s20, s5;
	s28 =	sor.u32 s22, s5;
	s31 =	sadd.s32 s21, s24;
	[tilespmem:s18+$0x0] =	vst.add.f32.msk $0xffff, v2  }
0x1bc: {  	s30 =	sor.u32 s21, s11;
	s29 =	sadd.s32 s20, s24;
	s25 =	sadd.s32 s22, s24;
	v2 =	vld [tilespmem:s31+$0x0]  }
0x1bd: {  	s24 =	sor.u32 s20, s11;
	s26 =	sor.u32 s22, s11;
	[tilespmem:s23+$0x0] =	vst.add.f32.msk $0xffff, v3;
	s18 =	simm.s32 $0x4  }
.LBB2_8:
0x1be: {  	s15 =	sadd.s32 $0x200, s15;
	s16 =	sadd.s32 $0x40, s16  }
0x1bf: {  	s0 =	rddreg [dreg:$0x12];
	s19 =	sand.u32 $0x40, s16;
	s21 =	sand.u32 $0x1C00, s15;
	[tilespmem:s28+$0x0] =	vst.add.f32.msk $0xffff, v1  }
0x1c0: {  	s0 =	sadd.s32 s21, s0;
	s20 =	sor.u32 $0x30, s19;
	v1 =	vld [tilespmem:s29+$0x0]  }
0x1c1: {  	s22 =	sor.u32 $0x10, s19;
	s2 =	sadd.s32 s20, s0;
	[tilespmem:s30+$0x0] =	vst.add.f32.msk $0xffff, v2  }
0x1c2: {  	s4 =	sadd.s32 s22, s0;
	v2 =	vld [tilespmem:s2+$0x0]  }
0x1c3: {  	v5 =	vld [tilespmem:s4+$0x0]  }
0x1c4: {  	v3 =	vld [tilespmem:s25+$0x0]  }
0x1c5: {  	s1 =	sadd.s32 s19, s0;
	[tilespmem:s17+$0x0] =	vst.add.f32.msk $0xffff, v0  }
0x1c6: {  	s7 =	sadd.s32 $0x13280, s21;
	v4 =	vld [tilespmem:s1+$0x0]  }
0x1c7: {  	s6 =	rddreg [dreg:$0x13];
	s23 =	sor.u32 $0x20, s19;
	s11 =	sor.u32 s20, s7;
	[tilespmem:s24+$0x0] =	vst.add.f32.msk $0xffff, v1  }
0x1c8: {  	s0 =	sadd.s32 s23, s0;
	s1 =	sadd.s32 s21, s6;
	[tilespmem:s11+$0x0] =	vst.add.f32.msk $0xffff, v2  }
0x1c9: {  	s24 =	sadd.s32 s20, s1;
	v0 =	vmov v3;
	v3 =	vld [tilespmem:s0+$0x0]  }
0x1ca: {  	s10 =	sor.u32 s19, s7;
	v1 =	vld [tilespmem:s24+$0x0]  }
0x1cb: {  	s5 =	sor.u32 s22, s7;
	[tilespmem:s10+$0x0] =	vst.add.f32.msk $0xffff, v4  }
0x1cc: {  	s6 =	sadd.s32 s19, s1;
	[tilespmem:s5+$0x0] =	vst.add.f32.msk $0xffff, v5  }
0x1cd: {  	s2 =	sor.u32 s23, s7;
	s17 =	smov.u32 s26;
	s26 =	sadd.s32 $0x13300, s21;
	v2 =	vld [tilespmem:s6+$0x0]  }
0x1ce: {  	s25 =	rddreg [dreg:$0x14];
	s11 =	sor.u32 s20, s26;
	[tilespmem:s2+$0x0] =	vst.add.f32.msk $0xffff, v3  }
0x1cf: {  	s7 =	sadd.s32 s22, s1;
	s0 =	sadd.s32 s21, s25;
	[tilespmem:s11+$0x0] =	vst.add.f32.msk $0xffff, v1  }
0x1d0: {  	s24 =	sadd.s32 s20, s0;
	v3 =	vld [tilespmem:s7+$0x0]  }
0x1d1: {  	s1 =	sadd.s32 s23, s1;
	v1 =	vld [tilespmem:s24+$0x0]  }
0x1d2: {  	s31 =	sor.u32 s19, s26;
	v62 =	vld [tilespmem:s1+$0x0]  }
0x1d3: {  	s10 =	sadd.s32 s19, s0;
	[tilespmem:s31+$0x0] =	vst.add.f32.msk $0xffff, v2  }
0x1d4: {  	s4 =	sor.u32 s23, s26;
	s6 =	sor.u32 s22, s26;
	s26 =	sadd.s32 $0x13380, s21;
	v2 =	vld [tilespmem:s10+$0x0]  }
0x1d5: {  	s31 =	sor.u32 s20, s26;
	[tilespmem:s6+$0x0] =	vst.add.f32.msk $0xffff, v3  }
0x1d6: {  	s25 =	rddreg [dreg:$0x15];
	[tilespmem:s31+$0x0] =	vst.add.f32.msk $0xffff, v1  }
0x1d7: {  	s5 =	sadd.s32 s21, s25;
	s11 =	sadd.s32 s22, s0;
	[tilespmem:s4+$0x0] =	vst.add.f32.msk $0xffff, v62  }
0x1d8: {  	s18 =	sadd.s32 $0x4, s18;
	s24 =	sadd.s32 s20, s5;
	v3 =	vld [tilespmem:s11+$0x0]  }
0x1d9: {  	p1 =	slt.u32 s18, $0x3C;
	s0 =	sadd.s32 s23, s0;
	v63 =	vld [tilespmem:s24+$0x0]  }
.Ltmp3:
0x1da: {  	s2 =	sor.u32 s19, s26;
	v1 =	vld [tilespmem:s0+$0x0];
	(pc) =	sbr.rel @p1 .LBB2_8-.Ltmp3, $4  }
0x1db: {  	s7 =	sadd.s32 s19, s5;
	[tilespmem:s2+$0x0] =	vst.add.f32.msk $0xffff, v2  }
0x1dc: {  	s28 =	sor.u32 s23, s26;
	s10 =	sor.u32 s22, s26;
	s26 =	sadd.s32 $0x13400, s21;
	v2 =	vld [tilespmem:s7+$0x0]  }
0x1dd: {  	s29 =	sadd.s32 s22, s5;
	s25 =	sadd.s32 s23, s5;
	s31 =	sor.u32 s20, s26;
	[tilespmem:s10+$0x0] =	vst.add.f32.msk $0xffff, v3  }
0x1de: {  	s30 =	sor.u32 s19, s26;
	s24 =	sor.u32 s22, s26;
	s26 =	sor.u32 s23, s26;
	[tilespmem:s31+$0x0] =	vst.add.f32.msk $0xffff, v63  }
0x1df: {  	[tilespmem:s28+$0x0] =	vst.add.f32.msk $0xffff, v1  }
0x1e0: {  	v63 =	vld [tilespmem:s29+$0x0]  }
0x1e1: {  	v3 =	vld [tilespmem:s25+$0x0];
	_ =	sdelay $0x1  }
0x1e2: {  	[tilespmem:s17+$0x0] =	vst.add.f32.msk $0xffff, v0  }
0x1e3: {  	[tilespmem:s30+$0x0] =	vst.add.f32.msk $0xffff, v2  }
0x1e4: {  	[tilespmem:s24+$0x0] =	vst.add.f32.msk $0xffff, v63  }
0x1e5: {  	[tilespmem:s26+$0x0] =	vst.add.f32.msk $0xffff, v3  }
0x1e6: {  	s2 =	simm.s32 $0x11080;
	s0 =	rddreg [dreg:$0x18]  }
0x1e7: {  	[hbm4b:s0+s3] =	stream.linear.scatter [tilespmem:s2], [sflag:$0x2], $0x4000, $0x38;
	[tilespmem:$0x15080] =	vst v63  }
0x1e8: {  	_ =	swait.ge [sflag:s13], $0x4000  }
0x1e9: {  	s14 =	sadd.s32 $0x1, s14;
	s31 =	rddreg [dreg:$0x19]  }
0x1ea: {  	p1 =	sne.s32 s14, s31  }
.Ltmp4:
0x1eb: {  	_ = 	snop;
	(pc) =	sbr.rel @p1 .LBB2_1-.Ltmp4, $3  }
0x1ec: {  	_ =	sdelay $0x1  }
0x1ed: {  	[sflag:s13] =	ssyncset.done $0x0  }
0x1ee: {  	[sflag:s13] =	ssyncadd.s32 $0xFFFFC000  }
0x1ef: {  	_ =	sfence.sel $0x180000  }
0x1f0: {  	[bflag:$0x0] =	sbarrier.arrive $0xFFFF  }
0x1f1: {  	_ =	strace $0x90000047  }
0x1f2: {  	[bflag:$0x2] =	sbarrier.arrive $0xFFFF  }
0x1f3: {  	s0 =	rddreg [dreg:$0x5]  }
0x1f4: {  	s0 =	sadd.s32 @!p0 $0x100000, s0  }
0x1f5: {  	[sflag:s0] =	ssyncadd.tile.s32 @!p0 $0x1;
	_ =	shalt  }
.Lfunc_end2:
_tile_overlayer_lowered:
.L_overlay_start_2:
0x1f6: {  	(tag) =	ssettag $0x2  }
0x1f7: {  	s0 =	rddreg [dreg:$0x0];
	s2 =	stileid.u32  }
0x1f8: {  	s1 =	rddreg [dreg:$0x1];
	p0 =	sne.s32 s2, $0x0  }
0x1f9: {  	s3 =	rddreg [dreg:$0x2];
	[bflag:$0x3] =	sbarrier.arrive $0xFFFF;
	s2 =	simm.s32 @!p0 $0x1C03  }
0x1fa: {  	[timem:s3], [sflag:s2] =	dma.local @!p0 [hbm:s0], s1  }
0x1fb: {  	s0 =	simm.s32 @!p0 $0x3  }
0x1fc: {  	_ =	swait.ge @!p0 [sflag:s0], s1  }
0x1fd: {  	s1 =	ssub.s32 @!p0 $0x0, s1;
	[sflag:s0] =	ssyncset.done @!p0 $0x0  }
0x1fe: {  	[sflag:s0] =	ssyncadd.s32 @!p0 s1  }
0x1ff: {  	[bflag:$0x3] =	sbarrier.arrive $0xFFFF  }
0x200: {  	_ =	shalt  }

</sc_bundles>
